<compile_context>
chip_gen: v7x
topology: tpu7x:2x2x1
jax: 0.10.2.dev20260603
libtpu: 0.0.44.dev20260713+nightly
codegen_flags: <defaults>
</compile_context>

<pallas_src>
import jax
import jax.numpy as jnp
from jax import lax
from jax.experimental import pallas as pl
from jax.experimental.pallas import tpu as pltpu
from jax.experimental.pallas import tpu_sc as plsc

N_NODE = 100000
D = 32
DE = 40
E = 1600000
HALF = 50000
ACC_ROWS = 50176
DUMMY = HALF
EPT = E // 16
BLK = 800
NBLK = EPT // BLK
CH = 32
NCH = BLK // CH


def _sc_body(src_e, dst_e, user_x, item_x, zrow,
             sum_i, sum_u,
             gbuf, dbuf, sidx, rows, acc, gsem):
    c = lax.axis_index("c")
    s = lax.axis_index("s")
    lo = c * HALF

    def zero_acc():
        pltpu.sync_copy(zrow.at[pl.ds(0, 3136)],
                        acc.at[pl.ds(s * 3136, 3136)])

    def scan_pass(s_arr, g_arr, table):
        @pl.loop(0, NBLK)
        def blk_body(blk):
            base = s * EPT + blk * BLK
            pltpu.sync_copy(g_arr.at[pl.ds(base, BLK)], gbuf)
            pltpu.sync_copy(s_arr.at[pl.ds(base, BLK)], dbuf)

            @pl.loop(0, NCH)
            def scan_ch(t):
                iot = jax.lax.iota(jnp.int32, 16)
                for q in range(CH // 16):
                    dv = dbuf[pl.ds(t * CH + q * 16, 16)]
                    ld = dv - lo
                    m = (ld >= 0) & (ld < HALF)
                    dum = DUMMY + ((t + q) % 10) * 16 + iot
                    sidx[t, pl.ds(q * 16, 16)] = jnp.where(m, ld, dum)

            def g_desc(t, slot):
                return pltpu.make_async_copy(
                    table.at[gbuf.at[pl.ds(t * CH, CH)]],
                    rows.at[slot], gsem.at[slot])

            g_desc(0, 0).start()

            @pl.loop(0, NCH)
            def main_ch(t):
                @pl.when(t + 1 < NCH)
                def _():
                    g_desc(t + 1, (t + 1) % 2).start()

                g_desc(t, t % 2).wait()
                pltpu.sync_copy(rows.at[t % 2], acc.at[sidx.at[t]], add=True)

    def write_out(sum_o):
        @pl.loop(0, 40)
        def wrs(k):
            j = k * 16 + s

            @pl.when(j < HALF // 80)
            def _():
                pltpu.sync_copy(acc.at[pl.ds(j * 80, 80)],
                                sum_o.at[pl.ds(c * HALF + j * 80, 80)])

    def phase(s_arr, g_arr, table, sum_o):
        zero_acc()
        plsc.subcore_barrier()
        scan_pass(s_arr, g_arr, table)
        plsc.subcore_barrier()
        write_out(sum_o)
        plsc.subcore_barrier()

    phase(dst_e, src_e, user_x, sum_i)
    phase(src_e, dst_e, item_x, sum_u)


_sc_call = pl.kernel(
    _sc_body,
    out_type=(
        jax.ShapeDtypeStruct((N_NODE, DE), jnp.float32),
        jax.ShapeDtypeStruct((N_NODE, DE), jnp.float32),
    ),
    mesh=plsc.VectorSubcoreMesh(core_axis_name="c", subcore_axis_name="s"),
    compiler_params=pltpu.CompilerParams(use_tc_tiling_on_sc=False),
    scratch_types=(
        pltpu.VMEM((BLK,), jnp.int32),
        pltpu.VMEM((BLK,), jnp.int32),
        pltpu.VMEM((NCH, CH), jnp.int32),
        pltpu.VMEM((2, CH, DE), jnp.float32),
        pltpu.VMEM_SHARED((ACC_ROWS, DE), jnp.float32),
        pltpu.SemaphoreType.DMA((2,)),
    ),
)

BR = 1000


def _dense_body(hu, su, hi, si, wsT, wnT, bb, ou, oi):
    ws = wsT[...]
    wn = wnT[...]
    bv = bb[...]
    sue = su[...]
    agg_u = sue * (1.0 / jnp.maximum(sue[:, 32:33], 1.0))
    ou[...] = (jnp.dot(hu[...], ws, preferred_element_type=jnp.float32)
               + jnp.dot(agg_u, wn, preferred_element_type=jnp.float32) + bv)
    sie = si[...]
    agg_i = sie * (1.0 / jnp.maximum(sie[:, 32:33], 1.0))
    oi[...] = (jnp.dot(hi[...], ws, preferred_element_type=jnp.float32)
               + jnp.dot(agg_i, wn, preferred_element_type=jnp.float32) + bv)


def _spec(cols):
    return pl.BlockSpec((BR, cols), lambda i: (i, 0))


def _full_spec(shape):
    return pl.BlockSpec(shape, lambda i: tuple(0 for _ in shape))


_dense_call = pl.pallas_call(
    _dense_body,
    grid=(N_NODE // BR,),
    in_specs=[
        _spec(D), _spec(DE), _spec(D), _spec(DE),
        _full_spec((D, D)), _full_spec((DE, D)), _full_spec((1, D)),
    ],
    out_specs=[_spec(D), _spec(D)],
    out_shape=(
        jax.ShapeDtypeStruct((N_NODE, D), jnp.float32),
        jax.ShapeDtypeStruct((N_NODE, D), jnp.float32),
    ),
)


def _extend(table):
    one = jnp.ones((N_NODE, 1), jnp.float32)
    pad = jnp.zeros((N_NODE, DE - D - 1), jnp.float32)
    return jnp.concatenate([table, one, pad], axis=1)


def kernel(edge_index, user_table, item_table, W_self, W_neigh, b):
    edge_index = edge_index.astype(jnp.int32)
    zrow = jnp.zeros((3144, DE), jnp.float32)
    sum_i, sum_u = _sc_call(
        edge_index[0], edge_index[1], _extend(user_table),
        _extend(item_table), zrow)
    wnT_ext = jnp.concatenate(
        [W_neigh.T, jnp.zeros((DE - D, D), jnp.float32)], axis=0)
    out_user, out_item = _dense_call(
        user_table, sum_u, item_table, sum_i,
        W_self.T, wnT_ext, b.reshape(1, D))
    return (out_user, out_item)

# --- scband reference (transcript-rebuilt; emitter-appended) ---
"""Pipeline reference for scband-light-gcn-63720134803714 (READ-ONLY COPY).

The authoritative reference and input builder live on the scoring server;
editing this copy changes nothing except your own understanding.
"""

import jax, jax.numpy as jnp
import numpy as np

NUM_USER = 100000
NUM_ITEM = 100000
EMBED_DIM = 32
N_EDGES = 1600000


def setup_inputs(seed: int = 0) -> dict:
    key = jax.random.key(seed)
    ks = jax.random.split(key, 6)
    # edges of the bipartite 'checkin' relation: row 0 = user (src), row 1 = item (dst)
    edge_index = jax.random.randint(ks[0], (2, N_EDGES), 0, NUM_USER)
    # NodeEmbedding tables with init_func uniform(-0.001, 0.001)
    user_table = jax.random.uniform(ks[1], (NUM_USER, EMBED_DIM), minval=-0.001, maxval=0.001, dtype=jnp.float32)
    item_table = jax.random.uniform(ks[2], (NUM_ITEM, EMBED_DIM), minval=-0.001, maxval=0.001, dtype=jnp.float32)
    # SAGEConv(32, 32, aggregator_type='mean') parameters (fc_self, fc_neigh, bias)
    scale = 1.0 / np.sqrt(EMBED_DIM)
    W_self = jax.random.normal(ks[3], (EMBED_DIM, EMBED_DIM), dtype=jnp.float32) * scale
    W_neigh = jax.random.normal(ks[4], (EMBED_DIM, EMBED_DIM), dtype=jnp.float32) * scale
    b = jnp.zeros((EMBED_DIM,), dtype=jnp.float32)
    return {
        "edge_index": edge_index,
        "user_table": user_table,
        "item_table": item_table,
        "W_self": W_self,
        "W_neigh": W_neigh,
        "b": b,
    }


def _mean_agg(src_feat, dst_idx, num_dst):
    # DGL copy_u -> mean aggregation: sum incoming messages, divide by in-degree
    s = jax.ops.segment_sum(src_feat, dst_idx, num_segments=num_dst)
    cnt = jax.ops.segment_sum(
        jnp.ones((src_feat.shape[0], 1), dtype=src_feat.dtype), dst_idx, num_segments=num_dst
    )
    return s / jnp.maximum(cnt, 1.0)


def reference(edge_index, user_table, item_table, W_self, W_neigh, b):
    src = edge_index[0]
    dst = edge_index[1]
    # LightGCN.forward: look up all user / item node embeddings
    h_u = user_table
    h_i = item_table
    # HeteroGraphConv({'checkin': SAGEConv(32, 32, 'mean')}) applied on the
    # 'checkin' relation in both directions (user->item updates items,
    # item->user updates users) with shared SAGE weights, producing the
    # {'user': ..., 'item': ...} dict the forward returns.
    agg_i = _mean_agg(h_u[src], dst, NUM_ITEM)  # gather user feats, scatter-mean to items
    out_item = h_i @ W_self.T + agg_i @ W_neigh.T + b
    agg_u = _mean_agg(h_i[dst], src, NUM_USER)  # gather item feats, scatter-mean to users
    out_user = h_u @ W_self.T + agg_u @ W_neigh.T + b
    return (out_user, out_item)

if __name__ == "__main__":
    import jax
    _d = setup_inputs()
    print(jax.jit(kernel)(*tuple(_d.values())))

</pallas_src>

<mosaic_0001>
#map = affine_map<(d0, d1) -> (0)>
#map1 = affine_map<(d0, d1) -> (0, 0)>
module attributes {stable_mosaic.version = 14 : i64} {
  func.func @_sc_body(%arg0: i32, %arg1: i32, %arg2: memref<1600000xi32, #tpu.memory_space<hbm>>, %arg3: memref<1600000xi32, #tpu.memory_space<hbm>>, %arg4: memref<100000x40xf32, #tpu.memory_space<hbm>>, %arg5: memref<100000x40xf32, #tpu.memory_space<hbm>>, %arg6: memref<3144x40xf32, #tpu.memory_space<hbm>>, %arg7: memref<100000x40xf32, #tpu.memory_space<hbm>>, %arg8: memref<100000x40xf32, #tpu.memory_space<hbm>>, %arg9: memref<800xi32, #tpu.memory_space<vmem>>, %arg10: memref<800xi32, #tpu.memory_space<vmem>>, %arg11: memref<25x32xi32, #tpu.memory_space<vmem>>, %arg12: memref<2x32x40xf32, #tpu.memory_space<vmem>>, %arg13: memref<50176x40xf32, #tpu.memory_space<vmem_shared>>, %arg14: memref<2x!tpu.dma_semaphore, #tpu.memory_space<semaphore_mem>>) attributes {dimension_semantics = [#tpu.dimension_semantics<core_parallel>, #tpu.dimension_semantics<subcore_parallel>], iteration_bounds = array<i64: 2, 16>, scalar_prefetch = 0 : i64, scratch_operands = 6 : i64, tpu.core_type = #tpu.core_type<sc_vector_subcore>, window_params = [{transform_indices = #map}, {transform_indices = #map}, {transform_indices = #map1}, {transform_indices = #map1}, {transform_indices = #map1}, {transform_indices = #map1}, {transform_indices = #map1}]} {
    %mul3A = arith.constant 50000 : i32
    %mul3A_0 = arith.muli %arg0, %mul3A : i32
    %mul3A_1 = arith.constant 3136 : i32
    %mul3A_2 = arith.muli %arg1, %mul3A_1 : i32
    "tpu.region"() ({
      %run_scoped3A = tpu.sem_alloc : memref<!tpu.dma_semaphore, #tpu.memory_space<semaphore_mem>>
      %dma_start3A = arith.constant 0 : i32
      %dma_start3A_29 = tpu.memref_slice %arg13[%mul3A_2, %dma_start3A] : memref<50176x40xf32, #tpu.memory_space<vmem_shared>> -> memref<3136x40xf32, #tpu.memory_space<vmem_shared>>
      %dma_start3A_30 = arith.constant 0 : i32
      %dma_start3A_31 = arith.constant 0 : i32
      %dma_start3A_32 = tpu.memref_slice %arg6[%dma_start3A_30, %dma_start3A_31] : memref<3144x40xf32, #tpu.memory_space<hbm>> -> memref<3136x40xf32, #tpu.memory_space<hbm>>
      tpu.enqueue_dma source(%dma_start3A_32 : memref<3136x40xf32, #tpu.memory_space<hbm>>) target(%dma_start3A_29 : memref<3136x40xf32, #tpu.memory_space<vmem_shared>>) target_semaphore(%run_scoped3A : memref<!tpu.dma_semaphore, #tpu.memory_space<semaphore_mem>>)
      %dma_wait3A = arith.constant 0 : i32
      %dma_wait3A_33 = tpu.memref_slice %arg13[%mul3A_2, %dma_wait3A] : memref<50176x40xf32, #tpu.memory_space<vmem_shared>> -> memref<3136x40xf32, #tpu.memory_space<vmem_shared>>
      %dma_wait3A_34 = arith.constant 0 : i32
      %dma_wait3A_35 = arith.constant 0 : i32
      %dma_wait3A_36 = tpu.memref_slice %arg6[%dma_wait3A_34, %dma_wait3A_35] : memref<3144x40xf32, #tpu.memory_space<hbm>> -> memref<3136x40xf32, #tpu.memory_space<hbm>>
      tpu.wait_dma2 semaphore(%run_scoped3A : memref<!tpu.dma_semaphore, #tpu.memory_space<semaphore_mem>>) src(%dma_wait3A_36 : memref<3136x40xf32, #tpu.memory_space<hbm>>) dst(%dma_wait3A_33 : memref<3136x40xf32, #tpu.memory_space<vmem_shared>>)
      tpu.yield
    }) : () -> ()
    %barrier3A = arith.constant 0 : index
    tpu.barrier barrier_id(%barrier3A)
    %scan3A = arith.constant 0 : i32
    %scan3A_3 = arith.constant 125 : i32
    %scan3A_4 = arith.addi %scan3A, %scan3A_3 : i32
    %scan3A_5 = arith.constant 1 : i32
    scf.for %scan3A_29 = %scan3A to %scan3A_4 step %scan3A_5  : i32 {
      %mul3A_30 = arith.constant 1 : i32
      %mul3A_31 = arith.muli %scan3A_29, %mul3A_30 : i32
      %add3A = arith.constant 0 : i32
      %add3A_32 = arith.addi %add3A, %mul3A_31 : i32
      %mul3A_33 = arith.constant 100000 : i32
      %mul3A_34 = arith.muli %arg1, %mul3A_33 : i32
      %mul3A_35 = arith.constant 800 : i32
      %mul3A_36 = arith.muli %add3A_32, %mul3A_35 : i32
      %add3A_37 = arith.addi %mul3A_34, %mul3A_36 : i32
      "tpu.region"() ({
        %run_scoped3A = tpu.sem_alloc : memref<!tpu.dma_semaphore, #tpu.memory_space<semaphore_mem>>
        %dma_start3A_60 = tpu.memref_slice %arg2[%add3A_37] : memref<1600000xi32, #tpu.memory_space<hbm>> -> memref<800xi32, #tpu.memory_space<hbm>>
        %dma_start3A_61 = tpu.memref_slice %arg2[%add3A_37] : memref<1600000xi32, #tpu.memory_space<hbm>> -> memref<800xi32, #tpu.memory_space<hbm>>
        tpu.enqueue_dma source(%dma_start3A_61 : memref<800xi32, #tpu.memory_space<hbm>>) target(%arg9 : memref<800xi32, #tpu.memory_space<vmem>>) target_semaphore(%run_scoped3A : memref<!tpu.dma_semaphore, #tpu.memory_space<semaphore_mem>>)
        %dma_wait3A = tpu.memref_slice %arg2[%add3A_37] : memref<1600000xi32, #tpu.memory_space<hbm>> -> memref<800xi32, #tpu.memory_space<hbm>>
        %dma_wait3A_62 = tpu.memref_slice %arg2[%add3A_37] : memref<1600000xi32, #tpu.memory_space<hbm>> -> memref<800xi32, #tpu.memory_space<hbm>>
        tpu.wait_dma2 semaphore(%run_scoped3A : memref<!tpu.dma_semaphore, #tpu.memory_space<semaphore_mem>>) src(%dma_wait3A_62 : memref<800xi32, #tpu.memory_space<hbm>>) dst(%arg9 : memref<800xi32, #tpu.memory_space<vmem>>)
        tpu.yield
      }) : () -> ()
      "tpu.region"() ({
        %run_scoped3A = tpu.sem_alloc : memref<!tpu.dma_semaphore, #tpu.memory_space<semaphore_mem>>
        %dma_start3A_60 = tpu.memref_slice %arg3[%add3A_37] : memref<1600000xi32, #tpu.memory_space<hbm>> -> memref<800xi32, #tpu.memory_space<hbm>>
        %dma_start3A_61 = tpu.memref_slice %arg3[%add3A_37] : memref<1600000xi32, #tpu.memory_space<hbm>> -> memref<800xi32, #tpu.memory_space<hbm>>
        tpu.enqueue_dma source(%dma_start3A_61 : memref<800xi32, #tpu.memory_space<hbm>>) target(%arg10 : memref<800xi32, #tpu.memory_space<vmem>>) target_semaphore(%run_scoped3A : memref<!tpu.dma_semaphore, #tpu.memory_space<semaphore_mem>>)
        %dma_wait3A = tpu.memref_slice %arg3[%add3A_37] : memref<1600000xi32, #tpu.memory_space<hbm>> -> memref<800xi32, #tpu.memory_space<hbm>>
        %dma_wait3A_62 = tpu.memref_slice %arg3[%add3A_37] : memref<1600000xi32, #tpu.memory_space<hbm>> -> memref<800xi32, #tpu.memory_space<hbm>>
        tpu.wait_dma2 semaphore(%run_scoped3A : memref<!tpu.dma_semaphore, #tpu.memory_space<semaphore_mem>>) src(%dma_wait3A_62 : memref<800xi32, #tpu.memory_space<hbm>>) dst(%arg10 : memref<800xi32, #tpu.memory_space<vmem>>)
        tpu.yield
      }) : () -> ()
      %scan3A_38 = arith.constant 0 : i32
      %scan3A_39 = arith.constant 25 : i32
      %scan3A_40 = arith.addi %scan3A_38, %scan3A_39 : i32
      %scan3A_41 = arith.constant 1 : i32
      scf.for %scan3A_60 = %scan3A_38 to %scan3A_40 step %scan3A_41  : i32 {
        %mul3A_61 = arith.constant 1 : i32
        %mul3A_62 = arith.muli %scan3A_60, %mul3A_61 : i32
        %add3A_63 = arith.constant 0 : i32
        %add3A_64 = arith.addi %add3A_63, %mul3A_62 : i32
        %iota3A = tpu.iota {dimensions = array<i32: 0>} : vector<16xi32>
        %mul3A_65 = arith.constant 32 : i32
        %mul3A_66 = arith.muli %add3A_64, %mul3A_65 : i32
        %add3A_67 = arith.constant 0 : i32
        %add3A_68 = arith.addi %mul3A_66, %add3A_67 : i32
        %get3A = arith.index_cast %add3A_68 : i32 to index
        %get3A_69 = tpu.vector_load %arg10[%get3A] {strides = array<i32>} : memref<800xi32, #tpu.memory_space<vmem>>, vector<16xi32>,
        %get3A_70 = vector.shape_cast %get3A_69 : vector<16xi32> to vector<16xi32>
        %sub3A = vector.broadcast %mul3A_0 : i32 to vector<16xi32>
        %sub3A_71 = arith.subi %get3A_70, %sub3A : vector<16xi32>
        %ge3A = arith.constant 0 : i32
        %ge3A_72 = vector.broadcast %ge3A : i32 to vector<16xi32>
        %ge3A_73 = arith.cmpi sge, %sub3A_71, %ge3A_72 : vector<16xi32>
        %lt3A = arith.constant 50000 : i32
        %lt3A_74 = vector.broadcast %lt3A : i32 to vector<16xi32>
        %lt3A_75 = arith.cmpi slt, %sub3A_71, %lt3A_74 : vector<16xi32>
        %and3A = arith.andi %ge3A_73, %lt3A_75 : vector<16xi1>
        %add3A_76 = arith.constant 0 : i32
        %add3A_77 = arith.addi %add3A_64, %add3A_76 : i32
        %jit3A = arith.constant 10 : i32
        %eq3A = arith.constant 0 : i32
        %eq3A_78 = arith.cmpi eq, %jit3A, %eq3A : i32
        %jit3A_79 = arith.constant 1 : i32
        %select_n3A = arith.select %eq3A_78, %jit3A_79, %jit3A : i32
        %rem3A = arith.remsi %add3A_77, %select_n3A : i32
        %ne3A = arith.constant 0 : i32
        %ne3A_80 = arith.cmpi ne, %rem3A, %ne3A : i32
        %lt3A_81 = arith.constant 0 : i32
        %lt3A_82 = arith.cmpi slt, %rem3A, %lt3A_81 : i32
        %lt3A_83 = arith.constant 0 : i32
        %lt3A_84 = arith.cmpi slt, %select_n3A, %lt3A_83 : i32
        %ne3A_85 = arith.xori %lt3A_82, %lt3A_84 : i1
        %and3A_86 = arith.andi %ne3A_85, %ne3A_80 : i1
        %add3A_87 = arith.addi %rem3A, %select_n3A : i32
        %select_n3A_88 = arith.select %and3A_86, %add3A_87, %rem3A : i32
        %mul3A_89 = arith.constant 16 : i32
        %mul3A_90 = arith.muli %select_n3A_88, %mul3A_89 : i32
        %add3A_91 = arith.constant 50000 : i32
        %add3A_92 = arith.addi %add3A_91, %mul3A_90 : i32
        %add3A_93 = vector.broadcast %add3A_92 : i32 to vector<16xi32>
        %add3A_94 = arith.addi %add3A_93, %iota3A : vector<16xi32>
        %select_n3A_95 = arith.select %and3A, %sub3A_71, %add3A_94 : vector<16xi1>, vector<16xi32>
        %swap3A = arith.index_cast %add3A_64 : i32 to index
        %swap3A_96 = arith.constant 0 : index
        %swap3A_97 = tpu.vector_load %arg11[%swap3A, %swap3A_96] {strides = array<i32>} : memref<25x32xi32, #tpu.memory_space<vmem>>, vector<1x16xi32>,
        %swap3A_98 = vector.shape_cast %swap3A_97 : vector<1x16xi32> to vector<16xi32>
        %swap3A_99 = vector.shape_cast %select_n3A_95 : vector<16xi32> to vector<1x16xi32>
        tpu.vector_store %arg11[%swap3A, %swap3A_96], %swap3A_99 {strides = array<i32>} : memref<25x32xi32, #tpu.memory_space<vmem>>, vector<1x16xi32>,
        %mul3A_100 = arith.constant 32 : i32
        %mul3A_101 = arith.muli %add3A_64, %mul3A_100 : i32
        %add3A_102 = arith.constant 16 : i32
        %add3A_103 = arith.addi %mul3A_101, %add3A_102 : i32
        %get3A_104 = arith.index_cast %add3A_103 : i32 to index
        %get3A_105 = tpu.vector_load %arg10[%get3A_104] {strides = array<i32>} : memref<800xi32, #tpu.memory_space<vmem>>, vector<16xi32>,
        %get3A_106 = vector.shape_cast %get3A_105 : vector<16xi32> to vector<16xi32>
        %sub3A_107 = vector.broadcast %mul3A_0 : i32 to vector<16xi32>
        %sub3A_108 = arith.subi %get3A_106, %sub3A_107 : vector<16xi32>
        %ge3A_109 = arith.constant 0 : i32
        %ge3A_110 = vector.broadcast %ge3A_109 : i32 to vector<16xi32>
        %ge3A_111 = arith.cmpi sge, %sub3A_108, %ge3A_110 : vector<16xi32>
        %lt3A_112 = arith.constant 50000 : i32
        %lt3A_113 = vector.broadcast %lt3A_112 : i32 to vector<16xi32>
        %lt3A_114 = arith.cmpi slt, %sub3A_108, %lt3A_113 : vector<16xi32>
        %and3A_115 = arith.andi %ge3A_111, %lt3A_114 : vector<16xi1>
        %add3A_116 = arith.constant 1 : i32
        %add3A_117 = arith.addi %add3A_64, %add3A_116 : i32
        %jit3A_118 = arith.constant 10 : i32
        %eq3A_119 = arith.constant 0 : i32
        %eq3A_120 = arith.cmpi eq, %jit3A_118, %eq3A_119 : i32
        %jit3A_121 = arith.constant 1 : i32
        %select_n3A_122 = arith.select %eq3A_120, %jit3A_121, %jit3A_118 : i32
        %rem3A_123 = arith.remsi %add3A_117, %select_n3A_122 : i32
        %ne3A_124 = arith.constant 0 : i32
        %ne3A_125 = arith.cmpi ne, %rem3A_123, %ne3A_124 : i32
        %lt3A_126 = arith.constant 0 : i32
        %lt3A_127 = arith.cmpi slt, %rem3A_123, %lt3A_126 : i32
        %lt3A_128 = arith.constant 0 : i32
        %lt3A_129 = arith.cmpi slt, %select_n3A_122, %lt3A_128 : i32
        %ne3A_130 = arith.xori %lt3A_127, %lt3A_129 : i1
        %and3A_131 = arith.andi %ne3A_130, %ne3A_125 : i1
        %add3A_132 = arith.addi %rem3A_123, %select_n3A_122 : i32
        %select_n3A_133 = arith.select %and3A_131, %add3A_132, %rem3A_123 : i32
        %mul3A_134 = arith.constant 16 : i32
        %mul3A_135 = arith.muli %select_n3A_133, %mul3A_134 : i32
        %add3A_136 = arith.constant 50000 : i32
        %add3A_137 = arith.addi %add3A_136, %mul3A_135 : i32
        %add3A_138 = vector.broadcast %add3A_137 : i32 to vector<16xi32>
        %add3A_139 = arith.addi %add3A_138, %iota3A : vector<16xi32>
        %select_n3A_140 = arith.select %and3A_115, %sub3A_108, %add3A_139 : vector<16xi1>, vector<16xi32>
        %swap3A_141 = arith.index_cast %add3A_64 : i32 to index
        %swap3A_142 = arith.constant 16 : index
        %swap3A_143 = tpu.vector_load %arg11[%swap3A_141, %swap3A_142] {strides = array<i32>} : memref<25x32xi32, #tpu.memory_space<vmem>>, vector<1x16xi32>,
        %swap3A_144 = vector.shape_cast %swap3A_143 : vector<1x16xi32> to vector<16xi32>
        %swap3A_145 = vector.shape_cast %select_n3A_140 : vector<16xi32> to vector<1x16xi32>
        tpu.vector_store %arg11[%swap3A_141, %swap3A_142], %swap3A_145 {strides = array<i32>} : memref<25x32xi32, #tpu.memory_space<vmem>>, vector<1x16xi32>,
      }
      %scan3A_42 = arith.constant 25 : i32
      %dma_start3A = arith.constant 0 : i32
      %dma_start3A_43 = arith.constant 0 : i32
      %dma_start3A_44 = arith.constant 0 : i32
      %dma_start3A_45 = arith.constant 0 : i32
      %dma_start3A_46 = tpu.memref_slice %arg12[%dma_start3A, %dma_start3A_44, %dma_start3A_45] : memref<2x32x40xf32, #tpu.memory_space<vmem>> -> memref<1x32x40xf32, #tpu.memory_space<vmem>>
      %dma_start3A_47 = tpu.memref_squeeze %dma_start3A_46 : memref<1x32x40xf32, #tpu.memory_space<vmem>> -> memref<32x40xf32, #tpu.memory_space<vmem>>
      %dma_start3A_48 = arith.constant 0 : i32
      %dma_start3A_49 = tpu.memref_slice %arg9[%dma_start3A_48] : memref<800xi32, #tpu.memory_space<vmem>> -> memref<32xi32, #tpu.memory_space<vmem>>
      %dma_start3A_50 = arith.constant 0 : i32
      %dma_start3A_51 = arith.constant 0 : i32
      %dma_start3A_52 = tpu.memref_slice %arg4[%dma_start3A_50, %dma_start3A_51] : memref<100000x40xf32, #tpu.memory_space<hbm>> -> memref<100000x40xf32, #tpu.memory_space<hbm>>
      %dma_start3A_53 = tpu.memref_slice %arg14[%dma_start3A_43] : memref<2x!tpu.dma_semaphore, #tpu.memory_space<semaphore_mem>> -> memref<1x!tpu.dma_semaphore, #tpu.memory_space<semaphore_mem>>
      %dma_start3A_54 = tpu.memref_squeeze %dma_start3A_53 : memref<1x!tpu.dma_semaphore, #tpu.memory_space<semaphore_mem>> -> memref<!tpu.dma_semaphore, #tpu.memory_space<semaphore_mem>>
      tpu.enqueue_indirect_dma source(%dma_start3A_52 : memref<100000x40xf32, #tpu.memory_space<hbm>>) target(%dma_start3A_47 : memref<32x40xf32, #tpu.memory_space<vmem>>) offsets(%dma_start3A_49 : memref<32xi32, #tpu.memory_space<vmem>>) semaphore(%dma_start3A_54 : memref<!tpu.dma_semaphore, #tpu.memory_space<semaphore_mem>>)
      %scan3A_55 = arith.constant 0 : i32
      %scan3A_56 = arith.constant 25 : i32
      %scan3A_57 = arith.addi %scan3A_55, %scan3A_56 : i32
      %scan3A_58 = arith.constant 1 : i32
      scf.for %scan3A_60 = %scan3A_55 to %scan3A_57 step %scan3A_58  : i32 {
        %mul3A_61 = arith.constant 1 : i32
        %mul3A_62 = arith.muli %scan3A_60, %mul3A_61 : i32
        %add3A_63 = arith.constant 0 : i32
        %add3A_64 = arith.addi %add3A_63, %mul3A_62 : i32
        %add3A_65 = arith.constant 1 : i32
        %add3A_66 = arith.addi %add3A_64, %add3A_65 : i32
        %lt3A = arith.constant 25 : i32
        %lt3A_67 = arith.cmpi slt, %add3A_66, %lt3A : i32
        %convert_element_type3A = arith.extui %lt3A_67 : i1 to i32
        %cond3A = arith.constant 0 : i32
        %cond3A_68 = arith.cmpi ne, %convert_element_type3A, %cond3A : i32
        scf.if %cond3A_68 {
          %add3A_106 = arith.constant 1 : i32
          %add3A_107 = arith.addi %add3A_64, %add3A_106 : i32
          %add3A_108 = arith.constant 1 : i32
          %add3A_109 = arith.addi %add3A_64, %add3A_108 : i32
          %jit3A_110 = arith.constant 2 : i32
          %eq3A_111 = arith.constant 0 : i32
          %eq3A_112 = arith.cmpi eq, %jit3A_110, %eq3A_111 : i32
          %jit3A_113 = arith.constant 1 : i32
          %select_n3A_114 = arith.select %eq3A_112, %jit3A_113, %jit3A_110 : i32
          %rem3A_115 = arith.remsi %add3A_109, %select_n3A_114 : i32
          %ne3A_116 = arith.constant 0 : i32
          %ne3A_117 = arith.cmpi ne, %rem3A_115, %ne3A_116 : i32
          %lt3A_118 = arith.constant 0 : i32
          %lt3A_119 = arith.cmpi slt, %rem3A_115, %lt3A_118 : i32
          %lt3A_120 = arith.constant 0 : i32
          %lt3A_121 = arith.cmpi slt, %select_n3A_114, %lt3A_120 : i32
          %ne3A_122 = arith.xori %lt3A_119, %lt3A_121 : i1
          %and3A_123 = arith.andi %ne3A_122, %ne3A_117 : i1
          %add3A_124 = arith.addi %rem3A_115, %select_n3A_114 : i32
          %select_n3A_125 = arith.select %and3A_123, %add3A_124, %rem3A_115 : i32
          %mul3A_126 = arith.constant 32 : i32
          %mul3A_127 = arith.muli %add3A_107, %mul3A_126 : i32
          %dma_start3A_128 = arith.constant 0 : i32
          %dma_start3A_129 = arith.constant 0 : i32
          %dma_start3A_130 = tpu.memref_slice %arg12[%select_n3A_125, %dma_start3A_128, %dma_start3A_129] : memref<2x32x40xf32, #tpu.memory_space<vmem>> -> memref<1x32x40xf32, #tpu.memory_space<vmem>>
          %dma_start3A_131 = tpu.memref_squeeze %dma_start3A_130 : memref<1x32x40xf32, #tpu.memory_space<vmem>> -> memref<32x40xf32, #tpu.memory_space<vmem>>
          %dma_start3A_132 = tpu.memref_slice %arg9[%mul3A_127] : memref<800xi32, #tpu.memory_space<vmem>> -> memref<32xi32, #tpu.memory_space<vmem>>
          %dma_start3A_133 = arith.constant 0 : i32
          %dma_start3A_134 = arith.constant 0 : i32
          %dma_start3A_135 = tpu.memref_slice %arg4[%dma_start3A_133, %dma_start3A_134] : memref<100000x40xf32, #tpu.memory_space<hbm>> -> memref<100000x40xf32, #tpu.memory_space<hbm>>
          %dma_start3A_136 = tpu.memref_slice %arg14[%select_n3A_125] : memref<2x!tpu.dma_semaphore, #tpu.memory_space<semaphore_mem>> -> memref<1x!tpu.dma_semaphore, #tpu.memory_space<semaphore_mem>>
          %dma_start3A_137 = tpu.memref_squeeze %dma_start3A_136 : memref<1x!tpu.dma_semaphore, #tpu.memory_space<semaphore_mem>> -> memref<!tpu.dma_semaphore, #tpu.memory_space<semaphore_mem>>
          tpu.enqueue_indirect_dma source(%dma_start3A_135 : memref<100000x40xf32, #tpu.memory_space<hbm>>) target(%dma_start3A_131 : memref<32x40xf32, #tpu.memory_space<vmem>>) offsets(%dma_start3A_132 : memref<32xi32, #tpu.memory_space<vmem>>) semaphore(%dma_start3A_137 : memref<!tpu.dma_semaphore, #tpu.memory_space<semaphore_mem>>)
        } else {
        }
        %jit3A = arith.constant 2 : i32
        %eq3A = arith.constant 0 : i32
        %eq3A_69 = arith.cmpi eq, %jit3A, %eq3A : i32
        %jit3A_70 = arith.constant 1 : i32
        %select_n3A = arith.select %eq3A_69, %jit3A_70, %jit3A : i32
        %rem3A = arith.remsi %add3A_64, %select_n3A : i32
        %ne3A = arith.constant 0 : i32
        %ne3A_71 = arith.cmpi ne, %rem3A, %ne3A : i32
        %lt3A_72 = arith.constant 0 : i32
        %lt3A_73 = arith.cmpi slt, %rem3A, %lt3A_72 : i32
        %lt3A_74 = arith.constant 0 : i32
        %lt3A_75 = arith.cmpi slt, %select_n3A, %lt3A_74 : i32
        %ne3A_76 = arith.xori %lt3A_73, %lt3A_75 : i1
        %and3A = arith.andi %ne3A_76, %ne3A_71 : i1
        %add3A_77 = arith.addi %rem3A, %select_n3A : i32
        %select_n3A_78 = arith.select %and3A, %add3A_77, %rem3A : i32
        %mul3A_79 = arith.constant 32 : i32
        %mul3A_80 = arith.muli %add3A_64, %mul3A_79 : i32
        %dma_wait3A = arith.constant 0 : i32
        %dma_wait3A_81 = arith.constant 0 : i32
        %dma_wait3A_82 = tpu.memref_slice %arg12[%select_n3A_78, %dma_wait3A, %dma_wait3A_81] : memref<2x32x40xf32, #tpu.memory_space<vmem>> -> memref<1x32x40xf32, #tpu.memory_space<vmem>>
        %dma_wait3A_83 = tpu.memref_squeeze %dma_wait3A_82 : memref<1x32x40xf32, #tpu.memory_space<vmem>> -> memref<32x40xf32, #tpu.memory_space<vmem>>
        %dma_wait3A_84 = tpu.memref_slice %arg9[%mul3A_80] : memref<800xi32, #tpu.memory_space<vmem>> -> memref<32xi32, #tpu.memory_space<vmem>>
        %dma_wait3A_85 = arith.constant 0 : i32
        %dma_wait3A_86 = arith.constant 0 : i32
        %dma_wait3A_87 = tpu.memref_slice %arg4[%dma_wait3A_85, %dma_wait3A_86] : memref<100000x40xf32, #tpu.memory_space<hbm>> -> memref<100000x40xf32, #tpu.memory_space<hbm>>
        %dma_wait3A_88 = tpu.memref_slice %arg14[%select_n3A_78] : memref<2x!tpu.dma_semaphore, #tpu.memory_space<semaphore_mem>> -> memref<1x!tpu.dma_semaphore, #tpu.memory_space<semaphore_mem>>
        %dma_wait3A_89 = tpu.memref_squeeze %dma_wait3A_88 : memref<1x!tpu.dma_semaphore, #tpu.memory_space<semaphore_mem>> -> memref<!tpu.dma_semaphore, #tpu.memory_space<semaphore_mem>>
        tpu.wait_indirect_dma semaphore(%dma_wait3A_89 : memref<!tpu.dma_semaphore, #tpu.memory_space<semaphore_mem>>) src(%dma_wait3A_87 : memref<100000x40xf32, #tpu.memory_space<hbm>>) dst(%dma_wait3A_83 : memref<32x40xf32, #tpu.memory_space<vmem>>)
        %jit3A_90 = arith.constant 2 : i32
        %eq3A_91 = arith.constant 0 : i32
        %eq3A_92 = arith.cmpi eq, %jit3A_90, %eq3A_91 : i32
        %jit3A_93 = arith.constant 1 : i32
        %select_n3A_94 = arith.select %eq3A_92, %jit3A_93, %jit3A_90 : i32
        %rem3A_95 = arith.remsi %add3A_64, %select_n3A_94 : i32
        %ne3A_96 = arith.constant 0 : i32
        %ne3A_97 = arith.cmpi ne, %rem3A_95, %ne3A_96 : i32
        %lt3A_98 = arith.constant 0 : i32
        %lt3A_99 = arith.cmpi slt, %rem3A_95, %lt3A_98 : i32
        %lt3A_100 = arith.constant 0 : i32
        %lt3A_101 = arith.cmpi slt, %select_n3A_94, %lt3A_100 : i32
        %ne3A_102 = arith.xori %lt3A_99, %lt3A_101 : i1
        %and3A_103 = arith.andi %ne3A_102, %ne3A_97 : i1
        %add3A_104 = arith.addi %rem3A_95, %select_n3A_94 : i32
        %select_n3A_105 = arith.select %and3A_103, %add3A_104, %rem3A_95 : i32
        "tpu.region"() ({
          %run_scoped3A = tpu.sem_alloc : memref<!tpu.dma_semaphore, #tpu.memory_space<semaphore_mem>>
          %dma_start3A_106 = arith.constant 0 : i32
          %dma_start3A_107 = arith.constant 0 : i32
          %dma_start3A_108 = tpu.memref_slice %arg12[%select_n3A_105, %dma_start3A_106, %dma_start3A_107] : memref<2x32x40xf32, #tpu.memory_space<vmem>> -> memref<1x32x40xf32, #tpu.memory_space<vmem>>
          %dma_start3A_109 = tpu.memref_squeeze %dma_start3A_108 : memref<1x32x40xf32, #tpu.memory_space<vmem>> -> memref<32x40xf32, #tpu.memory_space<vmem>>
          %dma_start3A_110 = arith.constant 0 : i32
          %dma_start3A_111 = tpu.memref_slice %arg11[%add3A_64, %dma_start3A_110] : memref<25x32xi32, #tpu.memory_space<vmem>> -> memref<1x32xi32, #tpu.memory_space<vmem>>
          %dma_start3A_112 = tpu.memref_squeeze %dma_start3A_111 : memref<1x32xi32, #tpu.memory_space<vmem>> -> memref<32xi32, #tpu.memory_space<vmem>>
          %dma_start3A_113 = arith.constant 0 : i32
          %dma_start3A_114 = arith.constant 0 : i32
          %dma_start3A_115 = tpu.memref_slice %arg13[%dma_start3A_113, %dma_start3A_114] : memref<50176x40xf32, #tpu.memory_space<vmem_shared>> -> memref<50176x40xf32, #tpu.memory_space<vmem_shared>>
          tpu.enqueue_indirect_dma source(%dma_start3A_109 : memref<32x40xf32, #tpu.memory_space<vmem>>) target(%dma_start3A_115 : memref<50176x40xf32, #tpu.memory_space<vmem_shared>>) offsets(%dma_start3A_112 : memref<32xi32, #tpu.memory_space<vmem>>) semaphore(%run_scoped3A : memref<!tpu.dma_semaphore, #tpu.memory_space<semaphore_mem>>) {add = true}
          %dma_wait3A_116 = arith.constant 0 : i32
          %dma_wait3A_117 = arith.constant 0 : i32
          %dma_wait3A_118 = tpu.memref_slice %arg12[%select_n3A_105, %dma_wait3A_116, %dma_wait3A_117] : memref<2x32x40xf32, #tpu.memory_space<vmem>> -> memref<1x32x40xf32, #tpu.memory_space<vmem>>
          %dma_wait3A_119 = tpu.memref_squeeze %dma_wait3A_118 : memref<1x32x40xf32, #tpu.memory_space<vmem>> -> memref<32x40xf32, #tpu.memory_space<vmem>>
          %dma_wait3A_120 = arith.constant 0 : i32
          %dma_wait3A_121 = tpu.memref_slice %arg11[%add3A_64, %dma_wait3A_120] : memref<25x32xi32, #tpu.memory_space<vmem>> -> memref<1x32xi32, #tpu.memory_space<vmem>>
          %dma_wait3A_122 = tpu.memref_squeeze %dma_wait3A_121 : memref<1x32xi32, #tpu.memory_space<vmem>> -> memref<32xi32, #tpu.memory_space<vmem>>
          %dma_wait3A_123 = arith.constant 0 : i32
          %dma_wait3A_124 = arith.constant 0 : i32
          %dma_wait3A_125 = tpu.memref_slice %arg13[%dma_wait3A_123, %dma_wait3A_124] : memref<50176x40xf32, #tpu.memory_space<vmem_shared>> -> memref<50176x40xf32, #tpu.memory_space<vmem_shared>>
          tpu.wait_indirect_dma semaphore(%run_scoped3A : memref<!tpu.dma_semaphore, #tpu.memory_space<semaphore_mem>>) src(%dma_wait3A_119 : memref<32x40xf32, #tpu.memory_space<vmem>>) dst(%dma_wait3A_125 : memref<50176x40xf32, #tpu.memory_space<vmem_shared>>)
          tpu.yield
        }) : () -> ()
      }
      %scan3A_59 = arith.constant 25 : i32
    }
    %scan3A_6 = arith.constant 125 : i32
    %barrier3A_7 = arith.constant 0 : index
    tpu.barrier barrier_id(%barrier3A_7)
    %scan3A_8 = arith.constant 0 : i32
    %scan3A_9 = arith.constant 40 : i32
    %scan3A_10 = arith.addi %scan3A_8, %scan3A_9 : i32
    %scan3A_11 = arith.constant 1 : i32
    scf.for %scan3A_29 = %scan3A_8 to %scan3A_10 step %scan3A_11  : i32 {
      %mul3A_30 = arith.constant 1 : i32
      %mul3A_31 = arith.muli %scan3A_29, %mul3A_30 : i32
      %add3A = arith.constant 0 : i32
      %add3A_32 = arith.addi %add3A, %mul3A_31 : i32
      %mul3A_33 = arith.constant 16 : i32
      %mul3A_34 = arith.muli %add3A_32, %mul3A_33 : i32
      %add3A_35 = arith.addi %mul3A_34, %arg1 : i32
      %lt3A = arith.constant 625 : i32
      %lt3A_36 = arith.cmpi slt, %add3A_35, %lt3A : i32
      %convert_element_type3A = arith.extui %lt3A_36 : i1 to i32
      %cond3A = arith.constant 0 : i32
      %cond3A_37 = arith.cmpi ne, %convert_element_type3A, %cond3A : i32
      scf.if %cond3A_37 {
        %mul3A_38 = arith.constant 80 : i32
        %mul3A_39 = arith.muli %add3A_35, %mul3A_38 : i32
        %mul3A_40 = arith.constant 50000 : i32
        %mul3A_41 = arith.muli %arg0, %mul3A_40 : i32
        %mul3A_42 = arith.constant 80 : i32
        %mul3A_43 = arith.muli %add3A_35, %mul3A_42 : i32
        %add3A_44 = arith.addi %mul3A_41, %mul3A_43 : i32
        "tpu.region"() ({
          %run_scoped3A = tpu.sem_alloc : memref<!tpu.dma_semaphore, #tpu.memory_space<semaphore_mem>>
          %dma_start3A = arith.constant 0 : i32
          %dma_start3A_45 = tpu.memref_slice %arg7[%add3A_44, %dma_start3A] : memref<100000x40xf32, #tpu.memory_space<hbm>> -> memref<80x40xf32, #tpu.memory_space<hbm>>
          %dma_start3A_46 = arith.constant 0 : i32
          %dma_start3A_47 = tpu.memref_slice %arg13[%mul3A_39, %dma_start3A_46] : memref<50176x40xf32, #tpu.memory_space<vmem_shared>> -> memref<80x40xf32, #tpu.memory_space<vmem_shared>>
          tpu.enqueue_dma source(%dma_start3A_47 : memref<80x40xf32, #tpu.memory_space<vmem_shared>>) target(%dma_start3A_45 : memref<80x40xf32, #tpu.memory_space<hbm>>) target_semaphore(%run_scoped3A : memref<!tpu.dma_semaphore, #tpu.memory_space<semaphore_mem>>)
          %dma_wait3A = arith.constant 0 : i32
          %dma_wait3A_48 = tpu.memref_slice %arg7[%add3A_44, %dma_wait3A] : memref<100000x40xf32, #tpu.memory_space<hbm>> -> memref<80x40xf32, #tpu.memory_space<hbm>>
          %dma_wait3A_49 = arith.constant 0 : i32
          %dma_wait3A_50 = tpu.memref_slice %arg13[%mul3A_39, %dma_wait3A_49] : memref<50176x40xf32, #tpu.memory_space<vmem_shared>> -> memref<80x40xf32, #tpu.memory_space<vmem_shared>>
          tpu.wait_dma2 semaphore(%run_scoped3A : memref<!tpu.dma_semaphore, #tpu.memory_space<semaphore_mem>>) src(%dma_wait3A_50 : memref<80x40xf32, #tpu.memory_space<vmem_shared>>) dst(%dma_wait3A_48 : memref<80x40xf32, #tpu.memory_space<hbm>>)
          tpu.yield
        }) : () -> ()
      } else {
      }
    }
    %scan3A_12 = arith.constant 40 : i32
    %barrier3A_13 = arith.constant 0 : index
    tpu.barrier barrier_id(%barrier3A_13)
    %mul3A_14 = arith.constant 3136 : i32
    %mul3A_15 = arith.muli %arg1, %mul3A_14 : i32
    "tpu.region"() ({
      %run_scoped3A = tpu.sem_alloc : memref<!tpu.dma_semaphore, #tpu.memory_space<semaphore_mem>>
      %dma_start3A = arith.constant 0 : i32
      %dma_start3A_29 = tpu.memref_slice %arg13[%mul3A_15, %dma_start3A] : memref<50176x40xf32, #tpu.memory_space<vmem_shared>> -> memref<3136x40xf32, #tpu.memory_space<vmem_shared>>
      %dma_start3A_30 = arith.constant 0 : i32
      %dma_start3A_31 = arith.constant 0 : i32
      %dma_start3A_32 = tpu.memref_slice %arg6[%dma_start3A_30, %dma_start3A_31] : memref<3144x40xf32, #tpu.memory_space<hbm>> -> memref<3136x40xf32, #tpu.memory_space<hbm>>
      tpu.enqueue_dma source(%dma_start3A_32 : memref<3136x40xf32, #tpu.memory_space<hbm>>) target(%dma_start3A_29 : memref<3136x40xf32, #tpu.memory_space<vmem_shared>>) target_semaphore(%run_scoped3A : memref<!tpu.dma_semaphore, #tpu.memory_space<semaphore_mem>>)
      %dma_wait3A = arith.constant 0 : i32
      %dma_wait3A_33 = tpu.memref_slice %arg13[%mul3A_15, %dma_wait3A] : memref<50176x40xf32, #tpu.memory_space<vmem_shared>> -> memref<3136x40xf32, #tpu.memory_space<vmem_shared>>
      %dma_wait3A_34 = arith.constant 0 : i32
      %dma_wait3A_35 = arith.constant 0 : i32
      %dma_wait3A_36 = tpu.memref_slice %arg6[%dma_wait3A_34, %dma_wait3A_35] : memref<3144x40xf32, #tpu.memory_space<hbm>> -> memref<3136x40xf32, #tpu.memory_space<hbm>>
      tpu.wait_dma2 semaphore(%run_scoped3A : memref<!tpu.dma_semaphore, #tpu.memory_space<semaphore_mem>>) src(%dma_wait3A_36 : memref<3136x40xf32, #tpu.memory_space<hbm>>) dst(%dma_wait3A_33 : memref<3136x40xf32, #tpu.memory_space<vmem_shared>>)
      tpu.yield
    }) : () -> ()
    %barrier3A_16 = arith.constant 0 : index
    tpu.barrier barrier_id(%barrier3A_16)
    %scan3A_17 = arith.constant 0 : i32
    %scan3A_18 = arith.constant 125 : i32
    %scan3A_19 = arith.addi %scan3A_17, %scan3A_18 : i32
    %scan3A_20 = arith.constant 1 : i32
    scf.for %scan3A_29 = %scan3A_17 to %scan3A_19 step %scan3A_20  : i32 {
      %mul3A_30 = arith.constant 1 : i32
      %mul3A_31 = arith.muli %scan3A_29, %mul3A_30 : i32
      %add3A = arith.constant 0 : i32
      %add3A_32 = arith.addi %add3A, %mul3A_31 : i32
      %mul3A_33 = arith.constant 100000 : i32
      %mul3A_34 = arith.muli %arg1, %mul3A_33 : i32
      %mul3A_35 = arith.constant 800 : i32
      %mul3A_36 = arith.muli %add3A_32, %mul3A_35 : i32
      %add3A_37 = arith.addi %mul3A_34, %mul3A_36 : i32
      "tpu.region"() ({
        %run_scoped3A = tpu.sem_alloc : memref<!tpu.dma_semaphore, #tpu.memory_space<semaphore_mem>>
        %dma_start3A_60 = tpu.memref_slice %arg3[%add3A_37] : memref<1600000xi32, #tpu.memory_space<hbm>> -> memref<800xi32, #tpu.memory_space<hbm>>
        %dma_start3A_61 = tpu.memref_slice %arg3[%add3A_37] : memref<1600000xi32, #tpu.memory_space<hbm>> -> memref<800xi32, #tpu.memory_space<hbm>>
        tpu.enqueue_dma source(%dma_start3A_61 : memref<800xi32, #tpu.memory_space<hbm>>) target(%arg9 : memref<800xi32, #tpu.memory_space<vmem>>) target_semaphore(%run_scoped3A : memref<!tpu.dma_semaphore, #tpu.memory_space<semaphore_mem>>)
        %dma_wait3A = tpu.memref_slice %arg3[%add3A_37] : memref<1600000xi32, #tpu.memory_space<hbm>> -> memref<800xi32, #tpu.memory_space<hbm>>
        %dma_wait3A_62 = tpu.memref_slice %arg3[%add3A_37] : memref<1600000xi32, #tpu.memory_space<hbm>> -> memref<800xi32, #tpu.memory_space<hbm>>
        tpu.wait_dma2 semaphore(%run_scoped3A : memref<!tpu.dma_semaphore, #tpu.memory_space<semaphore_mem>>) src(%dma_wait3A_62 : memref<800xi32, #tpu.memory_space<hbm>>) dst(%arg9 : memref<800xi32, #tpu.memory_space<vmem>>)
        tpu.yield
      }) : () -> ()
      "tpu.region"() ({
        %run_scoped3A = tpu.sem_alloc : memref<!tpu.dma_semaphore, #tpu.memory_space<semaphore_mem>>
        %dma_start3A_60 = tpu.memref_slice %arg2[%add3A_37] : memref<1600000xi32, #tpu.memory_space<hbm>> -> memref<800xi32, #tpu.memory_space<hbm>>
        %dma_start3A_61 = tpu.memref_slice %arg2[%add3A_37] : memref<1600000xi32, #tpu.memory_space<hbm>> -> memref<800xi32, #tpu.memory_space<hbm>>
        tpu.enqueue_dma source(%dma_start3A_61 : memref<800xi32, #tpu.memory_space<hbm>>) target(%arg10 : memref<800xi32, #tpu.memory_space<vmem>>) target_semaphore(%run_scoped3A : memref<!tpu.dma_semaphore, #tpu.memory_space<semaphore_mem>>)
        %dma_wait3A = tpu.memref_slice %arg2[%add3A_37] : memref<1600000xi32, #tpu.memory_space<hbm>> -> memref<800xi32, #tpu.memory_space<hbm>>
        %dma_wait3A_62 = tpu.memref_slice %arg2[%add3A_37] : memref<1600000xi32, #tpu.memory_space<hbm>> -> memref<800xi32, #tpu.memory_space<hbm>>
        tpu.wait_dma2 semaphore(%run_scoped3A : memref<!tpu.dma_semaphore, #tpu.memory_space<semaphore_mem>>) src(%dma_wait3A_62 : memref<800xi32, #tpu.memory_space<hbm>>) dst(%arg10 : memref<800xi32, #tpu.memory_space<vmem>>)
        tpu.yield
      }) : () -> ()
      %scan3A_38 = arith.constant 0 : i32
      %scan3A_39 = arith.constant 25 : i32
      %scan3A_40 = arith.addi %scan3A_38, %scan3A_39 : i32
      %scan3A_41 = arith.constant 1 : i32
      scf.for %scan3A_60 = %scan3A_38 to %scan3A_40 step %scan3A_41  : i32 {
        %mul3A_61 = arith.constant 1 : i32
        %mul3A_62 = arith.muli %scan3A_60, %mul3A_61 : i32
        %add3A_63 = arith.constant 0 : i32
        %add3A_64 = arith.addi %add3A_63, %mul3A_62 : i32
        %iota3A = tpu.iota {dimensions = array<i32: 0>} : vector<16xi32>
        %mul3A_65 = arith.constant 32 : i32
        %mul3A_66 = arith.muli %add3A_64, %mul3A_65 : i32
        %add3A_67 = arith.constant 0 : i32
        %add3A_68 = arith.addi %mul3A_66, %add3A_67 : i32
        %get3A = arith.index_cast %add3A_68 : i32 to index
        %get3A_69 = tpu.vector_load %arg10[%get3A] {strides = array<i32>} : memref<800xi32, #tpu.memory_space<vmem>>, vector<16xi32>,
        %get3A_70 = vector.shape_cast %get3A_69 : vector<16xi32> to vector<16xi32>
        %sub3A = vector.broadcast %mul3A_0 : i32 to vector<16xi32>
        %sub3A_71 = arith.subi %get3A_70, %sub3A : vector<16xi32>
        %ge3A = arith.constant 0 : i32
        %ge3A_72 = vector.broadcast %ge3A : i32 to vector<16xi32>
        %ge3A_73 = arith.cmpi sge, %sub3A_71, %ge3A_72 : vector<16xi32>
        %lt3A = arith.constant 50000 : i32
        %lt3A_74 = vector.broadcast %lt3A : i32 to vector<16xi32>
        %lt3A_75 = arith.cmpi slt, %sub3A_71, %lt3A_74 : vector<16xi32>
        %and3A = arith.andi %ge3A_73, %lt3A_75 : vector<16xi1>
        %add3A_76 = arith.constant 0 : i32
        %add3A_77 = arith.addi %add3A_64, %add3A_76 : i32
        %jit3A = arith.constant 10 : i32
        %eq3A = arith.constant 0 : i32
        %eq3A_78 = arith.cmpi eq, %jit3A, %eq3A : i32
        %jit3A_79 = arith.constant 1 : i32
        %select_n3A = arith.select %eq3A_78, %jit3A_79, %jit3A : i32
        %rem3A = arith.remsi %add3A_77, %select_n3A : i32
        %ne3A = arith.constant 0 : i32
        %ne3A_80 = arith.cmpi ne, %rem3A, %ne3A : i32
        %lt3A_81 = arith.constant 0 : i32
        %lt3A_82 = arith.cmpi slt, %rem3A, %lt3A_81 : i32
        %lt3A_83 = arith.constant 0 : i32
        %lt3A_84 = arith.cmpi slt, %select_n3A, %lt3A_83 : i32
        %ne3A_85 = arith.xori %lt3A_82, %lt3A_84 : i1
        %and3A_86 = arith.andi %ne3A_85, %ne3A_80 : i1
        %add3A_87 = arith.addi %rem3A, %select_n3A : i32
        %select_n3A_88 = arith.select %and3A_86, %add3A_87, %rem3A : i32
        %mul3A_89 = arith.constant 16 : i32
        %mul3A_90 = arith.muli %select_n3A_88, %mul3A_89 : i32
        %add3A_91 = arith.constant 50000 : i32
        %add3A_92 = arith.addi %add3A_91, %mul3A_90 : i32
        %add3A_93 = vector.broadcast %add3A_92 : i32 to vector<16xi32>
        %add3A_94 = arith.addi %add3A_93, %iota3A : vector<16xi32>
        %select_n3A_95 = arith.select %and3A, %sub3A_71, %add3A_94 : vector<16xi1>, vector<16xi32>
        %swap3A = arith.index_cast %add3A_64 : i32 to index
        %swap3A_96 = arith.constant 0 : index
        %swap3A_97 = tpu.vector_load %arg11[%swap3A, %swap3A_96] {strides = array<i32>} : memref<25x32xi32, #tpu.memory_space<vmem>>, vector<1x16xi32>,
        %swap3A_98 = vector.shape_cast %swap3A_97 : vector<1x16xi32> to vector<16xi32>
        %swap3A_99 = vector.shape_cast %select_n3A_95 : vector<16xi32> to vector<1x16xi32>
        tpu.vector_store %arg11[%swap3A, %swap3A_96], %swap3A_99 {strides = array<i32>} : memref<25x32xi32, #tpu.memory_space<vmem>>, vector<1x16xi32>,
        %mul3A_100 = arith.constant 32 : i32
        %mul3A_101 = arith.muli %add3A_64, %mul3A_100 : i32
        %add3A_102 = arith.constant 16 : i32
        %add3A_103 = arith.addi %mul3A_101, %add3A_102 : i32
        %get3A_104 = arith.index_cast %add3A_103 : i32 to index
        %get3A_105 = tpu.vector_load %arg10[%get3A_104] {strides = array<i32>} : memref<800xi32, #tpu.memory_space<vmem>>, vector<16xi32>,
        %get3A_106 = vector.shape_cast %get3A_105 : vector<16xi32> to vector<16xi32>
        %sub3A_107 = vector.broadcast %mul3A_0 : i32 to vector<16xi32>
        %sub3A_108 = arith.subi %get3A_106, %sub3A_107 : vector<16xi32>
        %ge3A_109 = arith.constant 0 : i32
        %ge3A_110 = vector.broadcast %ge3A_109 : i32 to vector<16xi32>
        %ge3A_111 = arith.cmpi sge, %sub3A_108, %ge3A_110 : vector<16xi32>
        %lt3A_112 = arith.constant 50000 : i32
        %lt3A_113 = vector.broadcast %lt3A_112 : i32 to vector<16xi32>
        %lt3A_114 = arith.cmpi slt, %sub3A_108, %lt3A_113 : vector<16xi32>
        %and3A_115 = arith.andi %ge3A_111, %lt3A_114 : vector<16xi1>
        %add3A_116 = arith.constant 1 : i32
        %add3A_117 = arith.addi %add3A_64, %add3A_116 : i32
        %jit3A_118 = arith.constant 10 : i32
        %eq3A_119 = arith.constant 0 : i32
        %eq3A_120 = arith.cmpi eq, %jit3A_118, %eq3A_119 : i32
        %jit3A_121 = arith.constant 1 : i32
        %select_n3A_122 = arith.select %eq3A_120, %jit3A_121, %jit3A_118 : i32
        %rem3A_123 = arith.remsi %add3A_117, %select_n3A_122 : i32
        %ne3A_124 = arith.constant 0 : i32
        %ne3A_125 = arith.cmpi ne, %rem3A_123, %ne3A_124 : i32
        %lt3A_126 = arith.constant 0 : i32
        %lt3A_127 = arith.cmpi slt, %rem3A_123, %lt3A_126 : i32
        %lt3A_128 = arith.constant 0 : i32
        %lt3A_129 = arith.cmpi slt, %select_n3A_122, %lt3A_128 : i32
        %ne3A_130 = arith.xori %lt3A_127, %lt3A_129 : i1
        %and3A_131 = arith.andi %ne3A_130, %ne3A_125 : i1
        %add3A_132 = arith.addi %rem3A_123, %select_n3A_122 : i32
        %select_n3A_133 = arith.select %and3A_131, %add3A_132, %rem3A_123 : i32
        %mul3A_134 = arith.constant 16 : i32
        %mul3A_135 = arith.muli %select_n3A_133, %mul3A_134 : i32
        %add3A_136 = arith.constant 50000 : i32
        %add3A_137 = arith.addi %add3A_136, %mul3A_135 : i32
        %add3A_138 = vector.broadcast %add3A_137 : i32 to vector<16xi32>
        %add3A_139 = arith.addi %add3A_138, %iota3A : vector<16xi32>
        %select_n3A_140 = arith.select %and3A_115, %sub3A_108, %add3A_139 : vector<16xi1>, vector<16xi32>
        %swap3A_141 = arith.index_cast %add3A_64 : i32 to index
        %swap3A_142 = arith.constant 16 : index
        %swap3A_143 = tpu.vector_load %arg11[%swap3A_141, %swap3A_142] {strides = array<i32>} : memref<25x32xi32, #tpu.memory_space<vmem>>, vector<1x16xi32>,
        %swap3A_144 = vector.shape_cast %swap3A_143 : vector<1x16xi32> to vector<16xi32>
        %swap3A_145 = vector.shape_cast %select_n3A_140 : vector<16xi32> to vector<1x16xi32>
        tpu.vector_store %arg11[%swap3A_141, %swap3A_142], %swap3A_145 {strides = array<i32>} : memref<25x32xi32, #tpu.memory_space<vmem>>, vector<1x16xi32>,
      }
      %scan3A_42 = arith.constant 25 : i32
      %dma_start3A = arith.constant 0 : i32
      %dma_start3A_43 = arith.constant 0 : i32
      %dma_start3A_44 = arith.constant 0 : i32
      %dma_start3A_45 = arith.constant 0 : i32
      %dma_start3A_46 = tpu.memref_slice %arg12[%dma_start3A, %dma_start3A_44, %dma_start3A_45] : memref<2x32x40xf32, #tpu.memory_space<vmem>> -> memref<1x32x40xf32, #tpu.memory_space<vmem>>
      %dma_start3A_47 = tpu.memref_squeeze %dma_start3A_46 : memref<1x32x40xf32, #tpu.memory_space<vmem>> -> memref<32x40xf32, #tpu.memory_space<vmem>>
      %dma_start3A_48 = arith.constant 0 : i32
      %dma_start3A_49 = tpu.memref_slice %arg9[%dma_start3A_48] : memref<800xi32, #tpu.memory_space<vmem>> -> memref<32xi32, #tpu.memory_space<vmem>>
      %dma_start3A_50 = arith.constant 0 : i32
      %dma_start3A_51 = arith.constant 0 : i32
      %dma_start3A_52 = tpu.memref_slice %arg5[%dma_start3A_50, %dma_start3A_51] : memref<100000x40xf32, #tpu.memory_space<hbm>> -> memref<100000x40xf32, #tpu.memory_space<hbm>>
      %dma_start3A_53 = tpu.memref_slice %arg14[%dma_start3A_43] : memref<2x!tpu.dma_semaphore, #tpu.memory_space<semaphore_mem>> -> memref<1x!tpu.dma_semaphore, #tpu.memory_space<semaphore_mem>>
      %dma_start3A_54 = tpu.memref_squeeze %dma_start3A_53 : memref<1x!tpu.dma_semaphore, #tpu.memory_space<semaphore_mem>> -> memref<!tpu.dma_semaphore, #tpu.memory_space<semaphore_mem>>
      tpu.enqueue_indirect_dma source(%dma_start3A_52 : memref<100000x40xf32, #tpu.memory_space<hbm>>) target(%dma_start3A_47 : memref<32x40xf32, #tpu.memory_space<vmem>>) offsets(%dma_start3A_49 : memref<32xi32, #tpu.memory_space<vmem>>) semaphore(%dma_start3A_54 : memref<!tpu.dma_semaphore, #tpu.memory_space<semaphore_mem>>)
      %scan3A_55 = arith.constant 0 : i32
      %scan3A_56 = arith.constant 25 : i32
      %scan3A_57 = arith.addi %scan3A_55, %scan3A_56 : i32
      %scan3A_58 = arith.constant 1 : i32
      scf.for %scan3A_60 = %scan3A_55 to %scan3A_57 step %scan3A_58  : i32 {
        %mul3A_61 = arith.constant 1 : i32
        %mul3A_62 = arith.muli %scan3A_60, %mul3A_61 : i32
        %add3A_63 = arith.constant 0 : i32
        %add3A_64 = arith.addi %add3A_63, %mul3A_62 : i32
        %add3A_65 = arith.constant 1 : i32
        %add3A_66 = arith.addi %add3A_64, %add3A_65 : i32
        %lt3A = arith.constant 25 : i32
        %lt3A_67 = arith.cmpi slt, %add3A_66, %lt3A : i32
        %convert_element_type3A = arith.extui %lt3A_67 : i1 to i32
        %cond3A = arith.constant 0 : i32
        %cond3A_68 = arith.cmpi ne, %convert_element_type3A, %cond3A : i32
        scf.if %cond3A_68 {
          %add3A_106 = arith.constant 1 : i32
          %add3A_107 = arith.addi %add3A_64, %add3A_106 : i32
          %add3A_108 = arith.constant 1 : i32
          %add3A_109 = arith.addi %add3A_64, %add3A_108 : i32
          %jit3A_110 = arith.constant 2 : i32
          %eq3A_111 = arith.constant 0 : i32
          %eq3A_112 = arith.cmpi eq, %jit3A_110, %eq3A_111 : i32
          %jit3A_113 = arith.constant 1 : i32
          %select_n3A_114 = arith.select %eq3A_112, %jit3A_113, %jit3A_110 : i32
          %rem3A_115 = arith.remsi %add3A_109, %select_n3A_114 : i32
          %ne3A_116 = arith.constant 0 : i32
          %ne3A_117 = arith.cmpi ne, %rem3A_115, %ne3A_116 : i32
          %lt3A_118 = arith.constant 0 : i32
          %lt3A_119 = arith.cmpi slt, %rem3A_115, %lt3A_118 : i32
          %lt3A_120 = arith.constant 0 : i32
          %lt3A_121 = arith.cmpi slt, %select_n3A_114, %lt3A_120 : i32
          %ne3A_122 = arith.xori %lt3A_119, %lt3A_121 : i1
          %and3A_123 = arith.andi %ne3A_122, %ne3A_117 : i1
          %add3A_124 = arith.addi %rem3A_115, %select_n3A_114 : i32
          %select_n3A_125 = arith.select %and3A_123, %add3A_124, %rem3A_115 : i32
          %mul3A_126 = arith.constant 32 : i32
          %mul3A_127 = arith.muli %add3A_107, %mul3A_126 : i32
          %dma_start3A_128 = arith.constant 0 : i32
          %dma_start3A_129 = arith.constant 0 : i32
          %dma_start3A_130 = tpu.memref_slice %arg12[%select_n3A_125, %dma_start3A_128, %dma_start3A_129] : memref<2x32x40xf32, #tpu.memory_space<vmem>> -> memref<1x32x40xf32, #tpu.memory_space<vmem>>
          %dma_start3A_131 = tpu.memref_squeeze %dma_start3A_130 : memref<1x32x40xf32, #tpu.memory_space<vmem>> -> memref<32x40xf32, #tpu.memory_space<vmem>>
          %dma_start3A_132 = tpu.memref_slice %arg9[%mul3A_127] : memref<800xi32, #tpu.memory_space<vmem>> -> memref<32xi32, #tpu.memory_space<vmem>>
          %dma_start3A_133 = arith.constant 0 : i32
          %dma_start3A_134 = arith.constant 0 : i32
          %dma_start3A_135 = tpu.memref_slice %arg5[%dma_start3A_133, %dma_start3A_134] : memref<100000x40xf32, #tpu.memory_space<hbm>> -> memref<100000x40xf32, #tpu.memory_space<hbm>>
          %dma_start3A_136 = tpu.memref_slice %arg14[%select_n3A_125] : memref<2x!tpu.dma_semaphore, #tpu.memory_space<semaphore_mem>> -> memref<1x!tpu.dma_semaphore, #tpu.memory_space<semaphore_mem>>
          %dma_start3A_137 = tpu.memref_squeeze %dma_start3A_136 : memref<1x!tpu.dma_semaphore, #tpu.memory_space<semaphore_mem>> -> memref<!tpu.dma_semaphore, #tpu.memory_space<semaphore_mem>>
          tpu.enqueue_indirect_dma source(%dma_start3A_135 : memref<100000x40xf32, #tpu.memory_space<hbm>>) target(%dma_start3A_131 : memref<32x40xf32, #tpu.memory_space<vmem>>) offsets(%dma_start3A_132 : memref<32xi32, #tpu.memory_space<vmem>>) semaphore(%dma_start3A_137 : memref<!tpu.dma_semaphore, #tpu.memory_space<semaphore_mem>>)
        } else {
        }
        %jit3A = arith.constant 2 : i32
        %eq3A = arith.constant 0 : i32
        %eq3A_69 = arith.cmpi eq, %jit3A, %eq3A : i32
        %jit3A_70 = arith.constant 1 : i32
        %select_n3A = arith.select %eq3A_69, %jit3A_70, %jit3A : i32
        %rem3A = arith.remsi %add3A_64, %select_n3A : i32
        %ne3A = arith.constant 0 : i32
        %ne3A_71 = arith.cmpi ne, %rem3A, %ne3A : i32
        %lt3A_72 = arith.constant 0 : i32
        %lt3A_73 = arith.cmpi slt, %rem3A, %lt3A_72 : i32
        %lt3A_74 = arith.constant 0 : i32
        %lt3A_75 = arith.cmpi slt, %select_n3A, %lt3A_74 : i32
        %ne3A_76 = arith.xori %lt3A_73, %lt3A_75 : i1
        %and3A = arith.andi %ne3A_76, %ne3A_71 : i1
        %add3A_77 = arith.addi %rem3A, %select_n3A : i32
        %select_n3A_78 = arith.select %and3A, %add3A_77, %rem3A : i32
        %mul3A_79 = arith.constant 32 : i32
        %mul3A_80 = arith.muli %add3A_64, %mul3A_79 : i32
        %dma_wait3A = arith.constant 0 : i32
        %dma_wait3A_81 = arith.constant 0 : i32
        %dma_wait3A_82 = tpu.memref_slice %arg12[%select_n3A_78, %dma_wait3A, %dma_wait3A_81] : memref<2x32x40xf32, #tpu.memory_space<vmem>> -> memref<1x32x40xf32, #tpu.memory_space<vmem>>
        %dma_wait3A_83 = tpu.memref_squeeze %dma_wait3A_82 : memref<1x32x40xf32, #tpu.memory_space<vmem>> -> memref<32x40xf32, #tpu.memory_space<vmem>>
        %dma_wait3A_84 = tpu.memref_slice %arg9[%mul3A_80] : memref<800xi32, #tpu.memory_space<vmem>> -> memref<32xi32, #tpu.memory_space<vmem>>
        %dma_wait3A_85 = arith.constant 0 : i32
        %dma_wait3A_86 = arith.constant 0 : i32
        %dma_wait3A_87 = tpu.memref_slice %arg5[%dma_wait3A_85, %dma_wait3A_86] : memref<100000x40xf32, #tpu.memory_space<hbm>> -> memref<100000x40xf32, #tpu.memory_space<hbm>>
        %dma_wait3A_88 = tpu.memref_slice %arg14[%select_n3A_78] : memref<2x!tpu.dma_semaphore, #tpu.memory_space<semaphore_mem>> -> memref<1x!tpu.dma_semaphore, #tpu.memory_space<semaphore_mem>>
        %dma_wait3A_89 = tpu.memref_squeeze %dma_wait3A_88 : memref<1x!tpu.dma_semaphore, #tpu.memory_space<semaphore_mem>> -> memref<!tpu.dma_semaphore, #tpu.memory_space<semaphore_mem>>
        tpu.wait_indirect_dma semaphore(%dma_wait3A_89 : memref<!tpu.dma_semaphore, #tpu.memory_space<semaphore_mem>>) src(%dma_wait3A_87 : memref<100000x40xf32, #tpu.memory_space<hbm>>) dst(%dma_wait3A_83 : memref<32x40xf32, #tpu.memory_space<vmem>>)
        %jit3A_90 = arith.constant 2 : i32
        %eq3A_91 = arith.constant 0 : i32
        %eq3A_92 = arith.cmpi eq, %jit3A_90, %eq3A_91 : i32
        %jit3A_93 = arith.constant 1 : i32
        %select_n3A_94 = arith.select %eq3A_92, %jit3A_93, %jit3A_90 : i32
        %rem3A_95 = arith.remsi %add3A_64, %select_n3A_94 : i32
        %ne3A_96 = arith.constant 0 : i32
        %ne3A_97 = arith.cmpi ne, %rem3A_95, %ne3A_96 : i32
        %lt3A_98 = arith.constant 0 : i32
        %lt3A_99 = arith.cmpi slt, %rem3A_95, %lt3A_98 : i32
        %lt3A_100 = arith.constant 0 : i32
        %lt3A_101 = arith.cmpi slt, %select_n3A_94, %lt3A_100 : i32
        %ne3A_102 = arith.xori %lt3A_99, %lt3A_101 : i1
        %and3A_103 = arith.andi %ne3A_102, %ne3A_97 : i1
        %add3A_104 = arith.addi %rem3A_95, %select_n3A_94 : i32
        %select_n3A_105 = arith.select %and3A_103, %add3A_104, %rem3A_95 : i32
        "tpu.region"() ({
          %run_scoped3A = tpu.sem_alloc : memref<!tpu.dma_semaphore, #tpu.memory_space<semaphore_mem>>
          %dma_start3A_106 = arith.constant 0 : i32
          %dma_start3A_107 = arith.constant 0 : i32
          %dma_start3A_108 = tpu.memref_slice %arg12[%select_n3A_105, %dma_start3A_106, %dma_start3A_107] : memref<2x32x40xf32, #tpu.memory_space<vmem>> -> memref<1x32x40xf32, #tpu.memory_space<vmem>>
          %dma_start3A_109 = tpu.memref_squeeze %dma_start3A_108 : memref<1x32x40xf32, #tpu.memory_space<vmem>> -> memref<32x40xf32, #tpu.memory_space<vmem>>
          %dma_start3A_110 = arith.constant 0 : i32
          %dma_start3A_111 = tpu.memref_slice %arg11[%add3A_64, %dma_start3A_110] : memref<25x32xi32, #tpu.memory_space<vmem>> -> memref<1x32xi32, #tpu.memory_space<vmem>>
          %dma_start3A_112 = tpu.memref_squeeze %dma_start3A_111 : memref<1x32xi32, #tpu.memory_space<vmem>> -> memref<32xi32, #tpu.memory_space<vmem>>
          %dma_start3A_113 = arith.constant 0 : i32
          %dma_start3A_114 = arith.constant 0 : i32
          %dma_start3A_115 = tpu.memref_slice %arg13[%dma_start3A_113, %dma_start3A_114] : memref<50176x40xf32, #tpu.memory_space<vmem_shared>> -> memref<50176x40xf32, #tpu.memory_space<vmem_shared>>
          tpu.enqueue_indirect_dma source(%dma_start3A_109 : memref<32x40xf32, #tpu.memory_space<vmem>>) target(%dma_start3A_115 : memref<50176x40xf32, #tpu.memory_space<vmem_shared>>) offsets(%dma_start3A_112 : memref<32xi32, #tpu.memory_space<vmem>>) semaphore(%run_scoped3A : memref<!tpu.dma_semaphore, #tpu.memory_space<semaphore_mem>>) {add = true}
          %dma_wait3A_116 = arith.constant 0 : i32
          %dma_wait3A_117 = arith.constant 0 : i32
          %dma_wait3A_118 = tpu.memref_slice %arg12[%select_n3A_105, %dma_wait3A_116, %dma_wait3A_117] : memref<2x32x40xf32, #tpu.memory_space<vmem>> -> memref<1x32x40xf32, #tpu.memory_space<vmem>>
          %dma_wait3A_119 = tpu.memref_squeeze %dma_wait3A_118 : memref<1x32x40xf32, #tpu.memory_space<vmem>> -> memref<32x40xf32, #tpu.memory_space<vmem>>
          %dma_wait3A_120 = arith.constant 0 : i32
          %dma_wait3A_121 = tpu.memref_slice %arg11[%add3A_64, %dma_wait3A_120] : memref<25x32xi32, #tpu.memory_space<vmem>> -> memref<1x32xi32, #tpu.memory_space<vmem>>
          %dma_wait3A_122 = tpu.memref_squeeze %dma_wait3A_121 : memref<1x32xi32, #tpu.memory_space<vmem>> -> memref<32xi32, #tpu.memory_space<vmem>>
          %dma_wait3A_123 = arith.constant 0 : i32
          %dma_wait3A_124 = arith.constant 0 : i32
          %dma_wait3A_125 = tpu.memref_slice %arg13[%dma_wait3A_123, %dma_wait3A_124] : memref<50176x40xf32, #tpu.memory_space<vmem_shared>> -> memref<50176x40xf32, #tpu.memory_space<vmem_shared>>
          tpu.wait_indirect_dma semaphore(%run_scoped3A : memref<!tpu.dma_semaphore, #tpu.memory_space<semaphore_mem>>) src(%dma_wait3A_119 : memref<32x40xf32, #tpu.memory_space<vmem>>) dst(%dma_wait3A_125 : memref<50176x40xf32, #tpu.memory_space<vmem_shared>>)
          tpu.yield
        }) : () -> ()
      }
      %scan3A_59 = arith.constant 25 : i32
    }
    %scan3A_21 = arith.constant 125 : i32
    %barrier3A_22 = arith.constant 0 : index
    tpu.barrier barrier_id(%barrier3A_22)
    %scan3A_23 = arith.constant 0 : i32
    %scan3A_24 = arith.constant 40 : i32
    %scan3A_25 = arith.addi %scan3A_23, %scan3A_24 : i32
    %scan3A_26 = arith.constant 1 : i32
    scf.for %scan3A_29 = %scan3A_23 to %scan3A_25 step %scan3A_26  : i32 {
      %mul3A_30 = arith.constant 1 : i32
      %mul3A_31 = arith.muli %scan3A_29, %mul3A_30 : i32
      %add3A = arith.constant 0 : i32
      %add3A_32 = arith.addi %add3A, %mul3A_31 : i32
      %mul3A_33 = arith.constant 16 : i32
      %mul3A_34 = arith.muli %add3A_32, %mul3A_33 : i32
      %add3A_35 = arith.addi %mul3A_34, %arg1 : i32
      %lt3A = arith.constant 625 : i32
      %lt3A_36 = arith.cmpi slt, %add3A_35, %lt3A : i32
      %convert_element_type3A = arith.extui %lt3A_36 : i1 to i32
      %cond3A = arith.constant 0 : i32
      %cond3A_37 = arith.cmpi ne, %convert_element_type3A, %cond3A : i32
      scf.if %cond3A_37 {
        %mul3A_38 = arith.constant 80 : i32
        %mul3A_39 = arith.muli %add3A_35, %mul3A_38 : i32
        %mul3A_40 = arith.constant 50000 : i32
        %mul3A_41 = arith.muli %arg0, %mul3A_40 : i32
        %mul3A_42 = arith.constant 80 : i32
        %mul3A_43 = arith.muli %add3A_35, %mul3A_42 : i32
        %add3A_44 = arith.addi %mul3A_41, %mul3A_43 : i32
        "tpu.region"() ({
          %run_scoped3A = tpu.sem_alloc : memref<!tpu.dma_semaphore, #tpu.memory_space<semaphore_mem>>
          %dma_start3A = arith.constant 0 : i32
          %dma_start3A_45 = tpu.memref_slice %arg8[%add3A_44, %dma_start3A] : memref<100000x40xf32, #tpu.memory_space<hbm>> -> memref<80x40xf32, #tpu.memory_space<hbm>>
          %dma_start3A_46 = arith.constant 0 : i32
          %dma_start3A_47 = tpu.memref_slice %arg13[%mul3A_39, %dma_start3A_46] : memref<50176x40xf32, #tpu.memory_space<vmem_shared>> -> memref<80x40xf32, #tpu.memory_space<vmem_shared>>
          tpu.enqueue_dma source(%dma_start3A_47 : memref<80x40xf32, #tpu.memory_space<vmem_shared>>) target(%dma_start3A_45 : memref<80x40xf32, #tpu.memory_space<hbm>>) target_semaphore(%run_scoped3A : memref<!tpu.dma_semaphore, #tpu.memory_space<semaphore_mem>>)
          %dma_wait3A = arith.constant 0 : i32
          %dma_wait3A_48 = tpu.memref_slice %arg8[%add3A_44, %dma_wait3A] : memref<100000x40xf32, #tpu.memory_space<hbm>> -> memref<80x40xf32, #tpu.memory_space<hbm>>
          %dma_wait3A_49 = arith.constant 0 : i32
          %dma_wait3A_50 = tpu.memref_slice %arg13[%mul3A_39, %dma_wait3A_49] : memref<50176x40xf32, #tpu.memory_space<vmem_shared>> -> memref<80x40xf32, #tpu.memory_space<vmem_shared>>
          tpu.wait_dma2 semaphore(%run_scoped3A : memref<!tpu.dma_semaphore, #tpu.memory_space<semaphore_mem>>) src(%dma_wait3A_50 : memref<80x40xf32, #tpu.memory_space<vmem_shared>>) dst(%dma_wait3A_48 : memref<80x40xf32, #tpu.memory_space<hbm>>)
          tpu.yield
        }) : () -> ()
      } else {
      }
    }
    %scan3A_27 = arith.constant 40 : i32
    %barrier3A_28 = arith.constant 0 : index
    tpu.barrier barrier_id(%barrier3A_28)
    return
  }
}

module attributes {stable_mosaic.version = 14 : i64} {
  func.func @_dense_body(%arg0: i32, %arg1: memref<1000x32xf32, #tpu.memory_space<vmem>>, %arg2: memref<1000x40xf32, #tpu.memory_space<vmem>>, %arg3: memref<1000x32xf32, #tpu.memory_space<vmem>>, %arg4: memref<1000x40xf32, #tpu.memory_space<vmem>>, %arg5: memref<32x32xf32, #tpu.memory_space<vmem>>, %arg6: memref<40x32xf32, #tpu.memory_space<vmem>>, %arg7: memref<1x32xf32, #tpu.memory_space<vmem>>, %arg8: memref<1000x32xf32, #tpu.memory_space<vmem>>, %arg9: memref<1000x32xf32, #tpu.memory_space<vmem>>) attributes {dimension_semantics = [#tpu.dimension_semantics<arbitrary>], iteration_bounds = array<i64: 100>, scalar_prefetch = 0 : i64, scratch_operands = 0 : i64, tpu.core_type = #tpu.core_type<tc>, window_params = [{transform_indices = @transform_0, window_bounds = array<i64: 1000, 32>}, {transform_indices = @transform_1, window_bounds = array<i64: 1000, 40>}, {transform_indices = @transform_2, window_bounds = array<i64: 1000, 32>}, {transform_indices = @transform_3, window_bounds = array<i64: 1000, 40>}, {pipeline_mode = #tpu.pipeline_mode<synchronous>, transform_indices = @transform_4, window_bounds = array<i64: 32, 32>}, {pipeline_mode = #tpu.pipeline_mode<synchronous>, transform_indices = @transform_5, window_bounds = array<i64: 40, 32>}, {pipeline_mode = #tpu.pipeline_mode<synchronous>, transform_indices = @transform_6, window_bounds = array<i64: 1, 32>}, {transform_indices = @transform_7, window_bounds = array<i64: 1000, 32>}, {transform_indices = @transform_8, window_bounds = array<i64: 1000, 32>}]} {
    %get3A = arith.constant 0 : index
    %get3A_0 = arith.constant 0 : index
    %get3A_1 = vector.load %arg5[%get3A, %get3A_0] : memref<32x32xf32, #tpu.memory_space<vmem>>, vector<32x32xf32>
    %get3A_2 = arith.constant 0 : index
    %get3A_3 = arith.constant 0 : index
    %get3A_4 = vector.load %arg6[%get3A_2, %get3A_3] : memref<40x32xf32, #tpu.memory_space<vmem>>, vector<40x32xf32>
    %get3A_5 = arith.constant 0 : index
    %get3A_6 = arith.constant 0 : index
    %get3A_7 = vector.load %arg7[%get3A_5, %get3A_6] : memref<1x32xf32, #tpu.memory_space<vmem>>, vector<1x32xf32>
    %get3A_8 = arith.constant 0 : index
    %get3A_9 = arith.constant 0 : index
    %get3A_10 = vector.load %arg2[%get3A_8, %get3A_9] : memref<1000x40xf32, #tpu.memory_space<vmem>>, vector<1000x40xf32>
    %slice3A = vector.extract_strided_slice %get3A_10 {offsets = [0, 32], sizes = [1000, 1], strides = [1, 1]} : vector<1000x40xf32> to vector<1000x1xf32>
    %max3A = arith.constant 1.000000e+00 : f32
    %max3A_11 = vector.broadcast %max3A : f32 to vector<1000x1xf32>
    %max3A_12 = arith.maximumf %slice3A, %max3A_11 : vector<1000x1xf32>
    %div3A = arith.constant 1.000000e+00 : f32
    %div3A_13 = vector.broadcast %div3A : f32 to vector<1000x1xf32>
    %div3A_14 = arith.divf %div3A_13, %max3A_12 : vector<1000x1xf32>
    %mul3A = vector.broadcast %div3A_14 : vector<1000x1xf32> to vector<1000x40xf32>
    %mul3A_15 = arith.mulf %get3A_10, %mul3A : vector<1000x40xf32>
    %get3A_16 = arith.constant 0 : index
    %get3A_17 = arith.constant 0 : index
    %get3A_18 = vector.load %arg1[%get3A_16, %get3A_17] : memref<1000x32xf32, #tpu.memory_space<vmem>>, vector<1000x32xf32>
    %dot_general3A = arith.constant dense<0.000000e+00> : vector<1000x32xf32>
    %dot_general3A_19 = tpu.matmul %get3A_18, %get3A_1, %dot_general3A {dimension_numbers = #tpu.dot_dimension_numbers<[1], [0], [0], [1], [0, 0, 1, 1], [], []>, transpose_lhs_hint = false} : vector<1000x32xf32>, vector<32x32xf32>, vector<1000x32xf32> -> vector<1000x32xf32>
    %dot_general3A_20 = arith.constant dense<0.000000e+00> : vector<1000x32xf32>
    %dot_general3A_21 = tpu.matmul %mul3A_15, %get3A_4, %dot_general3A_20 {dimension_numbers = #tpu.dot_dimension_numbers<[1], [0], [0], [1], [0, 0, 1, 1], [], []>, transpose_lhs_hint = false} : vector<1000x40xf32>, vector<40x32xf32>, vector<1000x32xf32> -> vector<1000x32xf32>
    %add3A = arith.addf %dot_general3A_19, %dot_general3A_21 : vector<1000x32xf32>
    %add3A_22 = vector.broadcast %get3A_7 : vector<1x32xf32> to vector<1000x32xf32>
    %add3A_23 = arith.addf %add3A, %add3A_22 : vector<1000x32xf32>
    %swap3A = arith.constant 0 : index
    %swap3A_24 = arith.constant 0 : index
    %swap3A_25 = vector.load %arg8[%swap3A, %swap3A_24] : memref<1000x32xf32, #tpu.memory_space<vmem>>, vector<1000x32xf32>
    tpu.vector_store %arg8[%swap3A, %swap3A_24], %add3A_23 {strides = array<i32>} : memref<1000x32xf32, #tpu.memory_space<vmem>>, vector<1000x32xf32>,
    %get3A_26 = arith.constant 0 : index
    %get3A_27 = arith.constant 0 : index
    %get3A_28 = vector.load %arg4[%get3A_26, %get3A_27] : memref<1000x40xf32, #tpu.memory_space<vmem>>, vector<1000x40xf32>
    %slice3A_29 = vector.extract_strided_slice %get3A_28 {offsets = [0, 32], sizes = [1000, 1], strides = [1, 1]} : vector<1000x40xf32> to vector<1000x1xf32>
    %max3A_30 = arith.constant 1.000000e+00 : f32
    %max3A_31 = vector.broadcast %max3A_30 : f32 to vector<1000x1xf32>
    %max3A_32 = arith.maximumf %slice3A_29, %max3A_31 : vector<1000x1xf32>
    %div3A_33 = arith.constant 1.000000e+00 : f32
    %div3A_34 = vector.broadcast %div3A_33 : f32 to vector<1000x1xf32>
    %div3A_35 = arith.divf %div3A_34, %max3A_32 : vector<1000x1xf32>
    %mul3A_36 = vector.broadcast %div3A_35 : vector<1000x1xf32> to vector<1000x40xf32>
    %mul3A_37 = arith.mulf %get3A_28, %mul3A_36 : vector<1000x40xf32>
    %get3A_38 = arith.constant 0 : index
    %get3A_39 = arith.constant 0 : index
    %get3A_40 = vector.load %arg3[%get3A_38, %get3A_39] : memref<1000x32xf32, #tpu.memory_space<vmem>>, vector<1000x32xf32>
    %dot_general3A_41 = arith.constant dense<0.000000e+00> : vector<1000x32xf32>
    %dot_general3A_42 = tpu.matmul %get3A_40, %get3A_1, %dot_general3A_41 {dimension_numbers = #tpu.dot_dimension_numbers<[1], [0], [0], [1], [0, 0, 1, 1], [], []>, transpose_lhs_hint = false} : vector<1000x32xf32>, vector<32x32xf32>, vector<1000x32xf32> -> vector<1000x32xf32>
    %dot_general3A_43 = arith.constant dense<0.000000e+00> : vector<1000x32xf32>
    %dot_general3A_44 = tpu.matmul %mul3A_37, %get3A_4, %dot_general3A_43 {dimension_numbers = #tpu.dot_dimension_numbers<[1], [0], [0], [1], [0, 0, 1, 1], [], []>, transpose_lhs_hint = false} : vector<1000x40xf32>, vector<40x32xf32>, vector<1000x32xf32> -> vector<1000x32xf32>
    %add3A_45 = arith.addf %dot_general3A_42, %dot_general3A_44 : vector<1000x32xf32>
    %add3A_46 = vector.broadcast %get3A_7 : vector<1x32xf32> to vector<1000x32xf32>
    %add3A_47 = arith.addf %add3A_45, %add3A_46 : vector<1000x32xf32>
    %swap3A_48 = arith.constant 0 : index
    %swap3A_49 = arith.constant 0 : index
    %swap3A_50 = vector.load %arg9[%swap3A_48, %swap3A_49] : memref<1000x32xf32, #tpu.memory_space<vmem>>, vector<1000x32xf32>
    tpu.vector_store %arg9[%swap3A_48, %swap3A_49], %add3A_47 {strides = array<i32>} : memref<1000x32xf32, #tpu.memory_space<vmem>>, vector<1000x32xf32>,
    return
  }
  func.func @transform_0(%arg0: i32) -> (i32, i32) {
    %c0_i32 = arith.constant 0 : i32
    %c0_i32_0 = arith.constant 0 : i32
    return %arg0, %c0_i32 : i32, i32
  }
  func.func @transform_1(%arg0: i32) -> (i32, i32) {
    %c0_i32 = arith.constant 0 : i32
    %c0_i32_0 = arith.constant 0 : i32
    return %arg0, %c0_i32 : i32, i32
  }
  func.func @transform_2(%arg0: i32) -> (i32, i32) {
    %c0_i32 = arith.constant 0 : i32
    %c0_i32_0 = arith.constant 0 : i32
    return %arg0, %c0_i32 : i32, i32
  }
  func.func @transform_3(%arg0: i32) -> (i32, i32) {
    %c0_i32 = arith.constant 0 : i32
    %c0_i32_0 = arith.constant 0 : i32
    return %arg0, %c0_i32 : i32, i32
  }
  func.func @transform_4(%arg0: i32) -> (i32, i32) {
    %c0_i32 = arith.constant 0 : i32
    %c0_i32_0 = arith.constant 0 : i32
    %c0_i32_1 = arith.constant 0 : i32
    return %c0_i32, %c0_i32_0 : i32, i32
  }
  func.func @transform_5(%arg0: i32) -> (i32, i32) {
    %c0_i32 = arith.constant 0 : i32
    %c0_i32_0 = arith.constant 0 : i32
    %c0_i32_1 = arith.constant 0 : i32
    return %c0_i32, %c0_i32_0 : i32, i32
  }
  func.func @transform_6(%arg0: i32) -> (i32, i32) {
    %c0_i32 = arith.constant 0 : i32
    %c0_i32_0 = arith.constant 0 : i32
    %c0_i32_1 = arith.constant 0 : i32
    return %c0_i32, %c0_i32_0 : i32, i32
  }
  func.func @transform_7(%arg0: i32) -> (i32, i32) {
    %c0_i32 = arith.constant 0 : i32
    %c0_i32_0 = arith.constant 0 : i32
    return %arg0, %c0_i32 : i32, i32
  }
  func.func @transform_8(%arg0: i32) -> (i32, i32) {
    %c0_i32 = arith.constant 0 : i32
    %c0_i32_0 = arith.constant 0 : i32
    return %arg0, %c0_i32 : i32, i32
  }
}

</mosaic_0001>

<sc_bundles>
// kernel: kernel.4.cloned.1.call-start
scs
__scs_entry_jumppad:
0x0: {  	(pc) =	sbr.rel $0x88, $3  }
0x1: {  	(tag) =	ssettag $0x0;
	lr =	simm.s32 $0x1  }
0x2: {  	[smem:$0x3F9B] =	sst lr;
	_ =	strace $0xD0000000  }
0x3: {  	_ = 	snop  }
0x4: {  	_ = 	snop  }
0x5: {  	_ = 	snop  }
0x6: {  	_ = 	snop  }
0x7: {  	_ = 	snop  }
__scs_overlays_trampoline_lowered:
0x8: {  	[smem:$0x3FAA] =	sst s0  }
0x9: {  	[smem:$0x3FAB] =	sst s1  }
0xa: {  	[smem:$0x3FAC] =	sst s2  }
0xb: {  	[smem:$0x3FAD] =	sst s3  }
0xc: {  	[smem:$0x3FAE] =	sst s4  }
0xd: {  	[smem:$0x3FAF] =	sst s5  }
0xe: {  	[smem:$0x3FB0] =	sst s6  }
0xf: {  	[smem:$0x3FB1] =	sst s7  }
0x10: {  	[smem:$0x3FB2] =	sst s8  }
0x11: {  	[smem:$0x3FB3] =	sst s9;
	s0 =	simm.s32 @!p0 $0x0  }
0x12: {  	s1 =	sld [smem:$0x3F99];
	s0 =	simm.s32 @p0 $0x1  }
0x13: {  	[smem:$0x3FB4] =	sst s0;
	s0 =	simm.s32 @!p1 $0x0  }
0x14: {  	s2 =	sld [smem:$0x3F98];
	s0 =	simm.s32 @p1 $0x1  }
0x15: {  	[smem:$0x3FB5] =	sst s0;
	s0 =	simm.s32 @!p2 $0x0  }
0x16: {  	s3 =	sld [smem:$0x3FDB];
	s0 =	simm.s32 @p2 $0x1  }
0x17: {  	s4 =	simm.s32 $0x1BF5;
	[smem:$0x3FB7] =	sst s0  }
0x18: {  	s0 =	sld [smem:$0x3F9A];
	_ =	swait.ge [sflag:s4], $0x0  }
0x19: {  	s7 =	sld [smem:$0x3F9B]  }
0x1a: {  	s8 =	sadd.s32 $0xFFFFE003, lr  }
0x1b: {  	s9 =	sadd.s32 $0xFFFFFEF7, lr;
	s5 =	simm.s32 $0xFFFFFFFF;
	p2 =	slt.u32 s8, $0xFFFFF086  }
0x1c: {  	p1 =	slt.u32 s9, $0xF7A;
	s5 =	simm.s32 @!p2 $0x0  }
0x1d: {  	s5 =	simm.s32 @p1 $0x1;
	p0 =	seq.s32 s7, s2  }
0x1e: {  	s7 =	smul.u32 @!p0 $0xF7A, s2;
	p2 =	seq.s32 @!p0 s5, $0x0  }
0x1f: {  	s9 =	smul.u32 $0xF7A, s1;
	s8 =	simm.s32 @!p0 $0x1BF5;
	p2 =	por !p2, p0  }
0x20: {  	[sflag:s8] =	ssyncset.s32 @!p0 $0xFFFFF086;
	s6 =	sadd.s32 @!p0 s3, s7;
	s7 =	simm.s32 @!p0 $0x108  }
0x21: {  	s3 =	sadd.s32 s3, s9;
	s6 =	sadd.s32 @!p0 $0x88, s6;
	s7 =	simm.s32 @p2 $0x1082  }
0x22: {  	[simem:s7], [sflag:s8] =	dma.local @!p0 [hbm:s6], $0xF7A  }
0x23: {  	s9 =	sor.u32 $0xD0000000, s2;
	s6 =	simm.s32 $0x108;
	_ =	swait.ge @!p0 [sflag:s8], $0x0  }
0x24: {  	s3 =	sadd.s32 $0x88, s3;
	s6 =	simm.s32 @!p1 $0x1082;
	[sflag:s4] =	ssyncset.s32 $0xFFFFF086  }
0x25: {  	[simem:s6], [sflag:s4] =	dma.local [hbm:s3], $0xF7A  }
0x26: {  	[smem:$0x3F9B] =	sst s1;
	(tag) =	ssettag s2;
	_ =	strace s9  }
0x27: {  	s1 =	sld [smem:$0x3FAB]  }
0x28: {  	s2 =	sld [smem:$0x3FAC]  }
0x29: {  	s4 =	sld [smem:$0x3FAE]  }
0x2a: {  	p0 =	seq.s32 s5, $0x0;
	s5 =	sld [smem:$0x3FAF]  }
0x2b: {  	s6 =	sld [smem:$0x3FB0]  }
0x2c: {  	s7 =	sld [smem:$0x3FB1]  }
0x2d: {  	s3 =	simm.s32 $0x108;
	s8 =	sld [smem:$0x3FB2]  }
0x2e: {  	s3 =	simm.s32 @!p0 $0x1082;
	s9 =	sld [smem:$0x3FB3]  }
0x2f: {  	lr =	sadd.s32 s0, s3;
	s0 =	sld [smem:$0x3FAA]  }
0x30: {  	s3 =	sld [smem:$0x3FAD]  }
0x31: {  	[smem:$0x3FB6] =	sst s10  }
0x32: {  	s10 =	sld [smem:$0x3FB4];
	_ =	sdelay $0x3  }
0x33: {  	p0 =	seq.s32 s10, $0x1;
	s10 =	sld [smem:$0x3FB6];
	_ =	sdelay $0x3  }
0x34: {  	[smem:$0x3FB6] =	sst s10  }
0x35: {  	s10 =	sld [smem:$0x3FB5];
	_ =	sdelay $0x3  }
0x36: {  	p1 =	seq.s32 s10, $0x1;
	s10 =	sld [smem:$0x3FB6];
	_ =	sdelay $0x3  }
0x37: {  	[smem:$0x3FB6] =	sst s10  }
0x38: {  	s10 =	sld [smem:$0x3FB7]  }
0x39: {  	_ = 	snop;
	(pc) =	sbr.ind lr, $3  }
0x3a: {  	_ = 	snop  }
0x3b: {  	_ = 	snop  }
0x3c: {  	p2 =	seq.s32 s10, $0x1;
	s10 =	sld [smem:$0x3FB6]  }
0x3d: {  	_ =	shalt  }
0x3e: {  	_ =	shalt  }
0x3f: {  	_ =	shalt  }
0x40: {  	_ =	shalt  }
0x41: {  	_ =	shalt  }
0x42: {  	_ =	shalt  }
0x43: {  	_ =	shalt  }
0x44: {  	_ =	shalt  }
0x45: {  	_ =	shalt  }
0x46: {  	_ =	shalt  }
0x47: {  	_ =	shalt  }
0x48: {  	_ =	shalt  }
0x49: {  	_ =	shalt  }
0x4a: {  	_ =	shalt  }
0x4b: {  	_ =	shalt  }
0x4c: {  	_ =	shalt  }
0x4d: {  	_ =	shalt  }
0x4e: {  	_ =	shalt  }
0x4f: {  	_ =	shalt  }
0x50: {  	_ =	shalt  }
0x51: {  	_ =	shalt  }
0x52: {  	_ =	shalt  }
0x53: {  	_ =	shalt  }
0x54: {  	_ =	shalt  }
0x55: {  	_ =	shalt  }
0x56: {  	_ =	shalt  }
0x57: {  	_ =	shalt  }
0x58: {  	_ =	shalt  }
0x59: {  	_ =	shalt  }
0x5a: {  	_ =	shalt  }
0x5b: {  	_ =	shalt  }
0x5c: {  	_ =	shalt  }
0x5d: {  	_ =	shalt  }
0x5e: {  	_ =	shalt  }
0x5f: {  	_ =	shalt  }
0x60: {  	_ =	shalt  }
0x61: {  	_ =	shalt  }
0x62: {  	_ =	shalt  }
0x63: {  	_ =	shalt  }
0x64: {  	_ =	shalt  }
0x65: {  	_ =	shalt  }
0x66: {  	_ =	shalt  }
0x67: {  	_ =	shalt  }
0x68: {  	_ =	shalt  }
0x69: {  	_ =	shalt  }
0x6a: {  	_ =	shalt  }
0x6b: {  	_ =	shalt  }
0x6c: {  	_ =	shalt  }
0x6d: {  	_ =	shalt  }
0x6e: {  	_ =	shalt  }
0x6f: {  	_ =	shalt  }
0x70: {  	_ =	shalt  }
0x71: {  	_ =	shalt  }
0x72: {  	_ =	shalt  }
0x73: {  	_ =	shalt  }
0x74: {  	_ =	shalt  }
0x75: {  	_ =	shalt  }
0x76: {  	_ =	shalt  }
0x77: {  	_ =	shalt  }
0x78: {  	_ =	shalt  }
0x79: {  	_ =	shalt  }
0x7a: {  	_ =	shalt  }
0x7b: {  	_ =	shalt  }
0x7c: {  	_ =	shalt  }
0x7d: {  	_ =	shalt  }
0x7e: {  	_ =	shalt  }
0x7f: {  	_ =	shalt  }
0x80: {  	_ =	shalt  }
0x81: {  	_ =	shalt  }
0x82: {  	_ =	shalt  }
0x83: {  	_ =	shalt  }
0x84: {  	_ =	shalt  }
0x85: {  	_ =	shalt  }
0x86: {  	_ =	shalt  }
0x87: {  	_ =	shalt  }
.Lfunc_end0:
.L_simem_size_0:
called_computation_lowered:
.L_overlay_start_0:
0x88: {  	s2 =	sld [smem:$0x3FD9]  }
0x89: {  	s3 =	sld [smem:$0x3FFE];
	_ =	sdelay $0x1  }
0x8a: {  	s1 =	srdreg.scid  }
0x8b: {  	s0 =	sand.u32 $0x1, s1  }
0x8c: {  	s14 =	sshll.u32 s0, $0xA;
	s2 =	sadd.s32 s3, s2  }
0x8d: {  	s2 =	sadd.s32 s2, s14  }
0x8e: {  	[smem:$0x3FC2] =	sst s2  }
0x8f: {  	_ = 	snop  }
0x90: {  	s2 =	sld [smem:$0x3FD0];
	_ =	sdelay $0x2  }
0x91: {  	s15 =	simm.s32 $0xA;
	s4 =	simm.s32 $0x10  }
0x92: {  	[smem:s4], [sflag:s15] =	dma.local [hbm:s2], $0x1  }
0x93: {  	_ =	swait.eq [sflag:s15], $0x1  }
0x94: {  	[sflag:s15] =	ssyncset.done $0x0  }
0x95: {  	s16 =	sld [smem:$0x10];
	[sflag:s15] =	ssyncadd.s32 $0xFFFFFFFF  }
0x96: {  	s17 =	sld [smem:$0x11];
	(tm) =	ssettm $0x1  }
0x97: {  	s18 =	sld [smem:$0x3FFB];
	_ =	sdelay $0x3  }
0x98: {  	_ =	strace s18  }
0x99: {  	s4 =	sld [smem:$0x3FFC];
	_ =	sdelay $0x3  }
0x9a: {  	_ =	strace s4  }
0x9b: {  	s4 =	sld [smem:$0x3FFD];
	_ =	sdelay $0x3  }
0x9c: {  	_ =	strace s4  }
0x9d: {  	_ =	strace $0x8FFFFFFF  }
0x9e: {  	s19 =	sld [smem:$0x3FDB];
	_ =	sdelay $0x1  }
0x9f: {  	s5 =	simm.s32 $_scs_section_size  }
0xa0: {  	s6 =	simm.s32 $_size__tile_overlayer_lowered;
	s7 =	simm.s32 $_tile_overlayer_lowered  }
0xa1: {  	s22 =	simm.s32 $0x1BFF;
	s21 =	sshll.u32 s7, $0x1;
	s4 =	sadd.s32 s5, s19  }
0xa2: {  	s8 =	simm.s32 $0x0;
	s20 =	sshll.u32 s6, $0x1;
	s6 =	sadd.s32 s21, s4  }
0xa3: {  	[timem:s8], [sflag:s22] =	dma.local [hbm:s6], s20  }
0xa4: {  	_ =	swait.ge [sflag:s22], s20  }
0xa5: {  	s5 =	ssub.s32 $0x0, s20;
	[sflag:s22] =	ssyncset.done $0x0  }
0xa6: {  	[sflag:s22] =	ssyncadd.s32 s5;
	_ =	sdelay $0x1  }
0xa7: {  	s23 =	simm.s32 $0x1B8B  }
0xa8: {  	_ =	swait.ge [sflag:s23], $0x1  }
0xa9: {  	[sflag:s23] =	ssyncset.done $0x0  }
0xaa: {  	s25 =	simm.s32 $0x1B8E;
	s24 =	sld [smem:$0x3FFE];
	[sflag:s23] =	ssyncadd.s32 $0xFFFFFFFF  }
0xab: {  	s26 =	simm.s32 $execute0_lowered;
	[smem:$0x3FD2] =	sst s25  }
0xac: {  	s6 =	sshll.u32 s26, $0x1;
	_ =	strace $0x80000046;
	[dreg:$0x1] =	wrdreg $0xFFFFFFFF  }
0xad: {  	s28 =	simm.s32 $_size_execute0_lowered;
	s4 =	sadd.s32 s4, s6;
	[dreg:$0x0] =	wrdreg $0x0  }
0xae: {  	s6 =	sshll.u32 s28, $0x1;
	[dreg:$0x2] =	wrdreg s4  }
0xaf: {  	[dreg:$0x3] =	wrdreg s6  }
0xb0: {  	[dreg:$0x4] =	wrdreg $0xC0  }
0xb1: {  	_ =	task [dreg:s8], $0x5FFFF  }
0xb2: {  	[dreg:$0x1] =	wrdreg $0xFFFFFFFF  }
0xb3: {  	[dreg:$0x0] =	wrdreg $0x60  }
0xb4: {  	[dreg:$0x2] =	wrdreg s16  }
0xb5: {  	[dreg:$0x3] =	wrdreg s17  }
0xb6: {  	[dreg:$0x4] =	wrdreg s24  }
0xb7: {  	[dreg:$0x5] =	wrdreg $0x13600  }
0xb8: {  	[dreg:$0x6] =	wrdreg $0x9  }
0xb9: {  	_ =	task.clear_ibuf [dreg:s8], $0x7FFFF;
	_ =	strace $0x90000046  }
0xba: {  	s29 =	simm.s32 $0x9;
	_ =	strace $0x80000048  }
0xbb: {  	_ =	swait.ge [sflag:s29], $0x1  }
0xbc: {  	[sflag:s29] =	ssyncadd.s32 $0xFFFFFFFF  }
0xbd: {  	_ =	strace $0x90000048  }
0xbe: {  	_ =	sfence  }
0xbf: {  	s30 =	sld [smem:$0x0];
	_ =	sdelay $0x2  }
0xc0: {  	s31 =	sshll.u32 s1, $0xD;
	s1 =	sshrl.u32 s1, $0x2  }
0xc1: {  	s3 =	sand.u32 $0x4000, s31;
	s1 =	sadd.s32 s1, s30  }
0xc2: {  	s0 =	sor.u32 s3, s0;
	s1 =	sshll.u32 s1, $0x11  }
0xc3: {  	s0 =	sor.u32 s1, s0  }
0xc4: {  	s0 =	sadd.s32 $0x8F2B, s0  }
0xc5: {  	[sflag:s0] =	ssyncadd.remote.s32 $0x1  }
0xc6: {  	_ =	sfence.sel $0xFFFF  }
0xc7: {  	[dreg:$0x0] =	wrdreg $0xFFFFFFFF;
	(pc) =	sbr.abs _section_cstart, $3  }
0xc8: {  	[dreg:$0x1] =	wrdreg $0xFFFFFFFF  }
0xc9: {  	_ =	task.clear_ibuf [dreg:s8], $0x2FFFF;
	_ =	strace $0x9FFFFFFF  }
0xca: {  	(tm) =	ssettm $0x7FFFFFFF  }
0xcb: {  	_ =	shalt  }
tec
execute0_lowered:
.L_overlay_start_1:
0x0: {  	(tag) =	ssettag $0x1  }
0x1: {  	s1 =	rddreg [dreg:$0x0]  }
0x2: {  	s2 =	rddreg [dreg:$0x1]  }
0x3: {  	s9 =	rddreg [dreg:$0x2]  }
0x4: {  	s3 =	rddreg [dreg:$0x3];
	s4 =	simm.s32 $0x0  }
0x5: {  	s5 =	srdreg.scid;
	s17 =	simm.s32 $0x320;
	s18 =	simm.s32 $0x960  }
0x6: {  	s19 =	simm.s32 $0x20;
	s21 =	simm.s32 $0x940;
	s10 =	sand.u32 $0x1, s5  }
0x7: {  	s22 =	simm.s32 $0x0;
	s5 =	stileid.u32;
	s11 =	smul.u32 $0x3D090, s10  }
0x8: {  	[smem:$0x7FF] =	sst s4;
	s6 =	sadd.s32 $0x203800, s9;
	s14 =	smul.u32 $0x7A800, s5  }
0x9: {  	s7 =	sadd.s32 $0x189600, s9;
	s8 =	sadd.s32 $0x2C00, s9;
	s26 =	smul.u32 $0x190, s5  }
0xa: {  	_ =	strace $0x80000047;
	s12 =	ssub.s32 $0x2, s10;
	s15 =	smul.u32 $0x3200, s5  }
0xb: {  	s29 =	sshll.u32 s5, $0x6;
	s20 =	smul.u32 $0xC350, s10;
	s13 =	sshrl.u32 s12, $0x1  }
0xc: {  	s10 =	smul.u32 $0x186A0, s5;
	s11 =	sadd.s32 s11, s9;
	s12 =	ssub.s32 s12, s13  }
0xd: {  	s28 =	sshrl.u32 s14, $0x2;
	s9 =	sor.u32 $0x1C03, s29;
	s31 =	sshrl.u32 s15, $0x2  }
0xe: {  	v0 =	vmov s20;
	s20 =	simm.s32 $0x1;
	s16 =	sadd.s32 s28, s3;
	s30 =	sadd.s32 s26, s11  }
0xf: {  	s11 =	smax.u32 s12, $0x1;
	s13 =	sadd.s32 s31, s3;
	s12 =	sadd.s32 $0x6A00, s30  }
0x10: {  	v1 =	vlaneseq.u32;
	s14 =	sadd.s32 $0x80C00, s30;
	s15 =	sshrl.u32 s16, $0x3;
	s16 =	simm.s32 $0x3  }
.LBB2_1:
0x11: {  	[spmem:s15], [sflag:s9] =	dma.local [hbm:s8], $0x3D40  }
0x12: {  	_ =	swait.ge [sflag:s16], $0x3D40  }
0x13: {  	[sflag:s16] =	ssyncset.done $0x0  }
0x14: {  	[sflag:s16] =	ssyncadd.s32 $0xFFFFC2C0  }
0x15: {  	s23 =	simm.s32 $0x0;
	[bflag:$0x0] =	sbarrier.arrive $0xFFFF  }
.LBB2_2:
0x16: {  	s24 =	smul.u32 $0x320, s23;
	_ =	sdelay $0x1  }
0x17: {  	s24 =	sadd.s32 s10, s24  }
0x18: {  	s24 =	sshrl.u32 s24, $0x3  }
0x19: {  	s25 =	sadd.s32 s1, s24  }
0x1a: {  	[tilespmem:s4], [sflag:$0x3] =	stream.linear.gather [hbm4b:s25+s4], $0x320, $0x38;
	[tilespmem:$0x1FD60] =	vst v63  }
0x1b: {  	_ =	swait.ge [sflag:s16], $0x320  }
0x1c: {  	s26 =	simm.s32 $0x1;
	[sflag:s16] =	ssyncset.done $0x0  }
0x1d: {  	s24 =	sadd.s32 s2, s24;
	s25 =	smul.u32 $0xCD, s26;
	[sflag:s16] =	ssyncadd.s32 $0xFFFFFCE0  }
0x1e: {  	[tilespmem:s17], [sflag:$0x3] =	stream.linear.gather [hbm4b:s24+s4], $0x320, $0x38;
	[tilespmem:$0x1FD60] =	vst v63  }
0x1f: {  	s31 =	sadd.s32 $0xFFFFFF33, s25;
	_ =	swait.ge [sflag:s16], $0x320  }
0x20: {  	s26 =	sshrl.u32 s31, $0xB;
	[sflag:s16] =	ssyncset.done $0x0  }
0x21: {  	s24 =	simm.s32 $0x330;
	s26 =	smul.u32 $0xA, s26;
	[sflag:s16] =	ssyncadd.s32 $0xFFFFFCE0  }
0x22: {  	v2 =	vld [tilespmem:s24+$0xFFFFFFF0]  }
0x23: {  	s26 =	sxor.u32 $0xFFFFFFFF, s26  }
0x24: {  	s26 =	sadd.s32 $0x1, s26  }
0x25: {  	s26 =	sshll.u32 s26, $0x4  }
0x26: {  	s26 =	sand.u32 $0xF0, s26  }
0x27: {  	s26 =	sadd.s32 $0xC350, s26;
	v2 =	vsub.s32 v2, v0  }
0x28: {  	v3 =	vor.u32 s26, v1;
	vm0 =	vlt.u32 v2, $0xC350  }
0x29: {  	s26 =	simm.s32 $0x650;
	v2 =	vsel vm0, v2, v3  }
0x2a: {  	s25 =	sshrl.u32 s25, $0xB;
	[tilespmem:s26+$0xFFFFFFF0] =	vst v2  }
0x2b: {  	s25 =	smul.u32 $0xA, s25;
	v2 =	vld [tilespmem:s24+$0x0];
	_ =	sdelay $0x1  }
0x2c: {  	s28 =	ssub.s32 $0x1, s25  }
0x2d: {  	s25 =	simm.s32 $0x2;
	s30 =	sshll.u32 s28, $0x4  }
0x2e: {  	s29 =	simm.s32 $0x3;
	s28 =	smul.u32 $0xCD, s25;
	s30 =	sand.u32 $0xF0, s30  }
.LBB2_3:
0x2f: {  	p0 =	sne.s32 s29, $0x19;
	v2 =	vsub.s32 v2, v0;
	s30 =	sadd.s32 $0xC350, s30  }
0x30: {  	s31 =	sadd.s32 $0xFFFFFF33, s28;
	vm0 =	vlt.u32 v2, $0xC350;
	v3 =	vor.u32 s30, v1  }
0x31: {  	s30 =	sshrl.u32 s31, $0xB;
	v2 =	vsel vm0, v2, v3  }
0x32: {  	s24 =	sadd.s32 $0x20, s24;
	s30 =	smul.u32 $0xA, s30;
	[tilespmem:s26+$0x0] =	vst v2  }
0x33: {  	v2 =	vld [tilespmem:s24+$0xFFFFFFF0]  }
0x34: {  	s30 =	sxor.u32 $0xFFFFFFFF, s30  }
0x35: {  	s30 =	sadd.s32 s25, s30  }
0x36: {  	s30 =	sshll.u32 s30, $0x4  }
0x37: {  	s30 =	sand.u32 $0xF0, s30  }
0x38: {  	v2 =	vsub.s32 v2, v0;
	s30 =	sadd.s32 $0xC350, s30  }
0x39: {  	vm0 =	vlt.u32 v2, $0xC350;
	v3 =	vor.u32 s30, v1  }
0x3a: {  	s28 =	sshrl.u32 s28, $0xB;
	s26 =	sadd.s32 $0x20, s26;
	v2 =	vsel vm0, v2, v3  }
0x3b: {  	s28 =	smul.u32 $0xA, s28;
	[tilespmem:s26+$0xFFFFFFF0] =	vst v2  }
.Ltmp0:
0x3c: {  	v2 =	vld [tilespmem:s24+$0x0];
	(pc) =	sbr.rel @p0 .LBB2_3-.Ltmp0, $4  }
0x3d: {  	_ = 	snop  }
0x3e: {  	s28 =	ssub.s32 s25, s28;
	s25 =	smov.u32 s29  }
0x3f: {  	s30 =	sshll.u32 s28, $0x4  }
0x40: {  	s29 =	sadd.s32 $0x1, s29;
	s28 =	smul.u32 $0xCD, s25;
	s30 =	sand.u32 $0xF0, s30  }
0x41: {  	v2 =	vsub.s32 v2, v0;
	s29 =	sadd.s32 $0xC350, s30  }
0x42: {  	s0 =	sadd.s32 $0xFFFFFF33, s28;
	vm0 =	vlt.u32 v2, $0xC350;
	v3 =	vor.u32 s29, v1  }
0x43: {  	s29 =	sshrl.u32 s0, $0xB;
	v2 =	vsel vm0, v2, v3  }
0x44: {  	s24 =	sadd.s32 $0x20, s24;
	s29 =	smul.u32 $0xA, s29;
	[tilespmem:s26+$0x0] =	vst v2  }
0x45: {  	v2 =	vld [tilespmem:s24+$0xFFFFFFF0]  }
0x46: {  	s29 =	sxor.u32 $0xFFFFFFFF, s29  }
0x47: {  	s29 =	sadd.s32 s25, s29  }
0x48: {  	s29 =	sshll.u32 s29, $0x4  }
0x49: {  	s29 =	sand.u32 $0xF0, s29  }
0x4a: {  	v2 =	vsub.s32 v2, v0;
	s29 =	sadd.s32 $0xC350, s29  }
0x4b: {  	s28 =	sshrl.u32 s28, $0xB;
	vm14 =	vlt.u32 v2, $0xC350;
	v3 =	vor.u32 s29, v1  }
0x4c: {  	s31 =	sadd.s32 $0x20, s26;
	s0 =	smul.u32 $0xA, s28;
	v2 =	vsel vm14, v2, v3  }
0x4d: {  	[tilespmem:s31+$0xFFFFFFF0] =	vst v2  }
0x4e: {  	v2 =	vld [tilespmem:s24+$0x0];
	s24 =	ssub.s32 s25, s0  }
0x4f: {  	s24 =	sshll.u32 s24, $0x4  }
0x50: {  	s24 =	sand.u32 $0xF0, s24  }
0x51: {  	s24 =	sadd.s32 $0xC350, s24  }
0x52: {  	v3 =	vor.u32 s24, v1;
	s24 =	simm.s32 $0x1  }
0x53: {  	v2 =	vsub.s32 v2, v0;
	s28 =	sand.u32 $0x1, s24  }
0x54: {  	vm15 =	vlt.u32 v2, $0xC350;
	s29 =	smul.u32 $0x1400, s28  }
0x55: {  	s30 =	simm.s32 $0x0;
	v2 =	vsel vm15, v2, v3  }
0x56: {  	s26 =	sand.u32 $0x1, s30;
	s25 =	simm.s32 $0x20;
	[tilespmem:s31+$0x0] =	vst v2;
	s29 =	sshrl.u32 s29, $0x2  }
0x57: {  	[tilespmem:s18], [sflag:$0x1] =	stream.indirect.gather [hbm4b:s6+s25], $0x28, s30, s25, $0xb8;
	[tilespmem:$0x1FD60] =	vst v63  }
0x58: {  	s28 =	sadd.s32 $0x1, s28;
	s31 =	smul.u32 $0x1400, s26;
	s29 =	sadd.s32 $0x960, s29  }
0x59: {  	[tilespmem:s29], [sflag:s28] =	stream.indirect.gather [hbm4b:s6+s19], $0x28, s25, s19, $0xb8;
	[tilespmem:$0x1FD60] =	vst v63  }
0x5a: {  	s28 =	sadd.s32 $0x1, s26  }
0x5b: {  	s26 =	simm.s32 $0x640;
	s29 =	sshrl.u32 s31, $0x2;
	_ =	swait.ge [sflag:s28], $0x500  }
.LBB2_5:
0x5c: {  	p0 =	sne.s32 s24, $0x17;
	s30 =	smov.u32 s24;
	s24 =	sadd.s32 $0x1, s24  }
0x5d: {  	[sflag:s28] =	ssyncset.done $0x0  }
0x5e: {  	s31 =	sand.u32 $0x1, s24;
	[sflag:s28] =	ssyncadd.s32 $0xFFFFFB00  }
0x5f: {  	s29 =	sadd.s32 $0x960, s29;
	s25 =	sadd.s32 $0x20, s25;
	s28 =	smul.u32 $0x1400, s31  }
0x60: {  	[spmem:s3] =	stream.indirect.scatter.add.f32 [tilespmem:s29], [sflag:$0x3], $0x28, s26, s19, $0xb8;
	[tilespmem:$0x1FD60] =	vst v63  }
0x61: {  	s28 =	sshrl.u32 s28, $0x2  }
.Ltmp1:
0x62: {  	s29 =	sand.u32 $0x1, s30;
	_ =	swait.ge [sflag:s16], $0x500;
	(pc) =	sbr.rel @p0 .LBB2_5-.Ltmp1, $4  }
0x63: {  	s31 =	sadd.s32 $0x1, s31;
	s30 =	sadd.s32 $0x960, s28;
	[sflag:s16] =	ssyncset.done $0x0  }
0x64: {  	s0 =	smul.u32 $0x1400, s29;
	s28 =	sadd.s32 $0x1, s29;
	[sflag:s16] =	ssyncadd.s32 $0xFFFFFB00  }
0x65: {  	[tilespmem:s30], [sflag:s31] =	stream.indirect.gather [hbm4b:s6+s19], $0x28, s25, s19, $0xb8;
	[tilespmem:$0x1FD60] =	vst v63  }
0x66: {  	s26 =	sadd.s32 $0x20, s26;
	s29 =	sshrl.u32 s0, $0x2;
	_ =	swait.ge [sflag:s28], $0x500  }
0x67: {  	[sflag:s28] =	ssyncset.done $0x0  }
0x68: {  	s0 =	sadd.s32 $0x960, s29;
	[sflag:s28] =	ssyncadd.s32 $0xFFFFFB00  }
0x69: {  	[spmem:s3] =	stream.indirect.scatter.add.f32 [tilespmem:s0], [sflag:$0x3], $0x28, s26, s19, $0xb8;
	[tilespmem:$0x1FD60] =	vst v63  }
0x6a: {  	_ =	swait.ge [sflag:s16], $0x500  }
0x6b: {  	[sflag:s16] =	ssyncset.done $0x0  }
0x6c: {  	[sflag:s16] =	ssyncadd.s32 $0xFFFFFB00  }
0x6d: {  	s23 =	sadd.s32 $0x1, s23;
	_ =	swait.ge [sflag:s20], $0x500  }
0x6e: {  	p0 =	sne.s32 s23, $0x7D;
	[sflag:s20] =	ssyncset.done $0x0  }
.Ltmp2:
0x6f: {  	[sflag:s20] =	ssyncadd.s32 $0xFFFFFB00;
	(pc) =	sbr.rel @p0 .LBB2_2-.Ltmp2, $4  }
0x70: {  	[spmem:s3] =	stream.indirect.scatter.add.f32 [tilespmem:s18], [sflag:$0x3], $0x28, s21, s19, $0xb8;
	[tilespmem:$0x1FD60] =	vst v63  }
0x71: {  	_ =	swait.ge [sflag:s16], $0x500  }
0x72: {  	[sflag:s16] =	ssyncset.done $0x0  }
0x73: {  	[sflag:s16] =	ssyncadd.s32 $0xFFFFFB00  }
0x74: {  	s0 =	sadd.s32 $0x0, s5  }
0x75: {  	p0 =	sgt.u32 s0, $0x270  }
0x76: {  	[bflag:$0x0] =	sbarrier.arrive $0xFFFF;
	s0 =	sshrl.u32 @!p0 s13, $0x3;
	s28 =	simm.s32 @!p0 $0x3  }
0x77: {  	[hbm:s12], [sflag:s9] =	dma.local @!p0 [spmem:s0], $0x190  }
0x78: {  	s24 =	simm.s32 $0x10;
	s26 =	simm.s32 $0x20;
	_ =	swait.ge @!p0 [sflag:s28], $0x190  }
0x79: {  	s23 =	sadd.s32 $0x1900, s12;
	s25 =	sadd.s32 $0xC800, s13;
	[sflag:s28] =	ssyncset.done @!p0 $0x0  }
.LBB2_8:
0x7a: {  	s0 =	sadd.s32 s24, s5;
	s24 =	smov.u32 s26;
	s26 =	sadd.s32 $0x10, s26  }
0x7b: {  	[sflag:s28] =	ssyncadd.s32 @!p0 $0xFFFFFE70;
	p1 =	sne.s32 s26, $0x280  }
.Ltmp3:
0x7c: {  	p0 =	sgt.u32 s0, $0x270;
	(pc) =	sbr.rel @p1 .LBB2_8-.Ltmp3, $4  }
0x7d: {  	s0 =	sshrl.u32 @!p0 s25, $0x3;
	s28 =	simm.s32 @!p0 $0x3  }
0x7e: {  	[hbm:s23], [sflag:s9] =	dma.local @!p0 [spmem:s0], $0x190  }
0x7f: {  	_ =	swait.ge @!p0 [sflag:s28], $0x190  }
0x80: {  	s25 =	sadd.s32 $0xC800, s25;
	s23 =	sadd.s32 $0x1900, s23;
	[sflag:s28] =	ssyncset.done @!p0 $0x0  }
0x81: {  	s0 =	sadd.s32 s24, s5  }
0x82: {  	p1 =	sgt.u32 s0, $0x270  }
0x83: {  	[sflag:s28] =	ssyncadd.s32 @!p0 $0xFFFFFE70;
	s0 =	sshrl.u32 @!p1 s25, $0x3;
	s24 =	simm.s32 @!p1 $0x3  }
0x84: {  	[hbm:s23], [sflag:s9] =	dma.local @!p1 [spmem:s0], $0x190  }
0x85: {  	_ =	swait.ge @!p1 [sflag:s24], $0x190  }
0x86: {  	[sflag:s24] =	ssyncset.done @!p1 $0x0  }
0x87: {  	[sflag:s24] =	ssyncadd.s32 @!p1 $0xFFFFFE70  }
0x88: {  	[bflag:$0x0] =	sbarrier.arrive $0xFFFF  }
0x89: {  	[spmem:s15], [sflag:s9] =	dma.local [hbm:s8], $0x3D40  }
0x8a: {  	_ =	swait.ge [sflag:s16], $0x3D40  }
0x8b: {  	[sflag:s16] =	ssyncset.done $0x0  }
0x8c: {  	[sflag:s16] =	ssyncadd.s32 $0xFFFFC2C0  }
0x8d: {  	s23 =	simm.s32 $0x0;
	[bflag:$0x0] =	sbarrier.arrive $0xFFFF  }
.LBB2_10:
0x8e: {  	s0 =	smul.u32 $0x320, s23;
	_ =	sdelay $0x1  }
0x8f: {  	s0 =	sadd.s32 s10, s0  }
0x90: {  	s0 =	sshrl.u32 s0, $0x3  }
0x91: {  	s24 =	sadd.s32 s2, s0  }
0x92: {  	[tilespmem:s4], [sflag:$0x3] =	stream.linear.gather [hbm4b:s24+s4], $0x320, $0x38;
	[tilespmem:$0x1FD60] =	vst v63  }
0x93: {  	_ =	swait.ge [sflag:s16], $0x320  }
0x94: {  	s25 =	simm.s32 $0x1;
	[sflag:s16] =	ssyncset.done $0x0  }
0x95: {  	s25 =	smul.u32 $0xCD, s25;
	s0 =	sadd.s32 s1, s0;
	[sflag:s16] =	ssyncadd.s32 $0xFFFFFCE0  }
0x96: {  	[tilespmem:s17], [sflag:$0x3] =	stream.linear.gather [hbm4b:s0+s4], $0x320, $0x38;
	[tilespmem:$0x1FD60] =	vst v63  }
0x97: {  	s26 =	sadd.s32 $0xFFFFFF33, s25;
	_ =	swait.ge [sflag:s16], $0x320  }
0x98: {  	s0 =	sshrl.u32 s26, $0xB;
	[sflag:s16] =	ssyncset.done $0x0  }
0x99: {  	s24 =	simm.s32 $0x330;
	s0 =	smul.u32 $0xA, s0;
	[sflag:s16] =	ssyncadd.s32 $0xFFFFFCE0  }
0x9a: {  	v2 =	vld [tilespmem:s24+$0xFFFFFFF0]  }
0x9b: {  	s0 =	sxor.u32 $0xFFFFFFFF, s0  }
0x9c: {  	s0 =	sadd.s32 $0x1, s0  }
0x9d: {  	s0 =	sshll.u32 s0, $0x4  }
0x9e: {  	s0 =	sand.u32 $0xF0, s0  }
0x9f: {  	s0 =	sadd.s32 $0xC350, s0;
	v2 =	vsub.s32 v2, v0  }
0xa0: {  	v3 =	vor.u32 s0, v1;
	vm0 =	vlt.u32 v2, $0xC350  }
0xa1: {  	s26 =	simm.s32 $0x650;
	v2 =	vsel vm0, v2, v3  }
0xa2: {  	s25 =	sshrl.u32 s25, $0xB;
	[tilespmem:s26+$0xFFFFFFF0] =	vst v2  }
0xa3: {  	s25 =	smul.u32 $0xA, s25;
	v2 =	vld [tilespmem:s24+$0x0];
	_ =	sdelay $0x1  }
0xa4: {  	s31 =	ssub.s32 $0x1, s25  }
0xa5: {  	s25 =	simm.s32 $0x2;
	s0 =	sshll.u32 s31, $0x4  }
0xa6: {  	s29 =	simm.s32 $0x3;
	s28 =	smul.u32 $0xCD, s25;
	s30 =	sand.u32 $0xF0, s0  }
.LBB2_11:
0xa7: {  	p0 =	sne.s32 s29, $0x19;
	v2 =	vsub.s32 v2, v0;
	s0 =	sadd.s32 $0xC350, s30  }
0xa8: {  	s30 =	sadd.s32 $0xFFFFFF33, s28;
	vm0 =	vlt.u32 v2, $0xC350;
	v3 =	vor.u32 s0, v1  }
0xa9: {  	s0 =	sshrl.u32 s30, $0xB;
	v2 =	vsel vm0, v2, v3  }
0xaa: {  	s24 =	sadd.s32 $0x20, s24;
	s0 =	smul.u32 $0xA, s0;
	[tilespmem:s26+$0x0] =	vst v2  }
0xab: {  	v2 =	vld [tilespmem:s24+$0xFFFFFFF0]  }
0xac: {  	s0 =	sxor.u32 $0xFFFFFFFF, s0  }
0xad: {  	s0 =	sadd.s32 s25, s0  }
0xae: {  	s0 =	sshll.u32 s0, $0x4  }
0xaf: {  	s0 =	sand.u32 $0xF0, s0  }
0xb0: {  	v2 =	vsub.s32 v2, v0;
	s0 =	sadd.s32 $0xC350, s0  }
0xb1: {  	vm0 =	vlt.u32 v2, $0xC350;
	v3 =	vor.u32 s0, v1  }
0xb2: {  	s26 =	sadd.s32 $0x20, s26;
	s0 =	sshrl.u32 s28, $0xB;
	v2 =	vsel vm0, v2, v3  }
0xb3: {  	s0 =	smul.u32 $0xA, s0;
	[tilespmem:s26+$0xFFFFFFF0] =	vst v2  }
.Ltmp4:
0xb4: {  	v2 =	vld [tilespmem:s24+$0x0];
	(pc) =	sbr.rel @p0 .LBB2_11-.Ltmp4, $4  }
0xb5: {  	_ = 	snop  }
0xb6: {  	s0 =	ssub.s32 s25, s0;
	s25 =	smov.u32 s29  }
0xb7: {  	s0 =	sshll.u32 s0, $0x4  }
0xb8: {  	s29 =	sadd.s32 $0x1, s29;
	s28 =	smul.u32 $0xCD, s25;
	s30 =	sand.u32 $0xF0, s0  }
0xb9: {  	v2 =	vsub.s32 v2, v0;
	s0 =	sadd.s32 $0xC350, s30  }
0xba: {  	s29 =	sadd.s32 $0xFFFFFF33, s28;
	vm0 =	vlt.u32 v2, $0xC350;
	v3 =	vor.u32 s0, v1  }
0xbb: {  	s30 =	sshrl.u32 s29, $0xB;
	v2 =	vsel vm0, v2, v3  }
0xbc: {  	s24 =	sadd.s32 $0x20, s24;
	s0 =	smul.u32 $0xA, s30;
	[tilespmem:s26+$0x0] =	vst v2  }
0xbd: {  	v2 =	vld [tilespmem:s24+$0xFFFFFFF0]  }
0xbe: {  	s0 =	sxor.u32 $0xFFFFFFFF, s0  }
0xbf: {  	s0 =	sadd.s32 s25, s0  }
0xc0: {  	s0 =	sshll.u32 s0, $0x4  }
0xc1: {  	s0 =	sand.u32 $0xF0, s0  }
0xc2: {  	v2 =	vsub.s32 v2, v0;
	s0 =	sadd.s32 $0xC350, s0  }
0xc3: {  	s31 =	sshrl.u32 s28, $0xB;
	vm14 =	vlt.u32 v2, $0xC350;
	v3 =	vor.u32 s0, v1  }
0xc4: {  	s0 =	sadd.s32 $0x20, s26;
	s26 =	smul.u32 $0xA, s31;
	v2 =	vsel vm14, v2, v3  }
0xc5: {  	[tilespmem:s0+$0xFFFFFFF0] =	vst v2  }
0xc6: {  	v2 =	vld [tilespmem:s24+$0x0];
	s24 =	ssub.s32 s25, s26  }
0xc7: {  	s24 =	sshll.u32 s24, $0x4  }
0xc8: {  	s24 =	sand.u32 $0xF0, s24  }
0xc9: {  	s24 =	sadd.s32 $0xC350, s24  }
0xca: {  	v3 =	vor.u32 s24, v1;
	s24 =	simm.s32 $0x1  }
0xcb: {  	v2 =	vsub.s32 v2, v0;
	s30 =	sand.u32 $0x1, s24  }
0xcc: {  	vm15 =	vlt.u32 v2, $0xC350;
	s28 =	smul.u32 $0x1400, s30  }
0xcd: {  	s31 =	simm.s32 $0x0;
	v2 =	vsel vm15, v2, v3  }
0xce: {  	s25 =	simm.s32 $0x20;
	[tilespmem:s0+$0x0] =	vst v2;
	s28 =	sshrl.u32 s28, $0x2;
	s0 =	sand.u32 $0x1, s31  }
0xcf: {  	[tilespmem:s18], [sflag:$0x1] =	stream.indirect.gather [hbm4b:s7+s25], $0x28, s31, s25, $0xb8;
	[tilespmem:$0x1FD60] =	vst v63  }
0xd0: {  	s26 =	sadd.s32 $0x1, s30;
	s28 =	sadd.s32 $0x960, s28;
	s29 =	smul.u32 $0x1400, s0  }
0xd1: {  	[tilespmem:s28], [sflag:s26] =	stream.indirect.gather [hbm4b:s7+s19], $0x28, s25, s19, $0xb8;
	[tilespmem:$0x1FD60] =	vst v63  }
0xd2: {  	s28 =	sadd.s32 $0x1, s0  }
0xd3: {  	s26 =	simm.s32 $0x640;
	s29 =	sshrl.u32 s29, $0x2;
	_ =	swait.ge [sflag:s28], $0x500  }
.LBB2_13:
0xd4: {  	p0 =	sne.s32 s24, $0x17;
	s0 =	smov.u32 s24;
	s24 =	sadd.s32 $0x1, s24  }
0xd5: {  	[sflag:s28] =	ssyncset.done $0x0  }
0xd6: {  	s29 =	sadd.s32 $0x960, s29;
	s30 =	sand.u32 $0x1, s24;
	[sflag:s28] =	ssyncadd.s32 $0xFFFFFB00  }
0xd7: {  	s25 =	sadd.s32 $0x20, s25;
	s0 =	sand.u32 $0x1, s0;
	s28 =	smul.u32 $0x1400, s30  }
0xd8: {  	[spmem:s3] =	stream.indirect.scatter.add.f32 [tilespmem:s29], [sflag:$0x3], $0x28, s26, s19, $0xb8;
	[tilespmem:$0x1FD60] =	vst v63  }
.Ltmp5:
0xd9: {  	s28 =	sshrl.u32 s28, $0x2;
	_ =	swait.ge [sflag:s16], $0x500;
	(pc) =	sbr.rel @p0 .LBB2_13-.Ltmp5, $4  }
0xda: {  	s30 =	sadd.s32 $0x1, s30;
	s29 =	sadd.s32 $0x960, s28;
	[sflag:s16] =	ssyncset.done $0x0  }
0xdb: {  	s31 =	smul.u32 $0x1400, s0;
	s28 =	sadd.s32 $0x1, s0;
	[sflag:s16] =	ssyncadd.s32 $0xFFFFFB00  }
0xdc: {  	[tilespmem:s29], [sflag:s30] =	stream.indirect.gather [hbm4b:s7+s19], $0x28, s25, s19, $0xb8;
	[tilespmem:$0x1FD60] =	vst v63  }
0xdd: {  	s26 =	sadd.s32 $0x20, s26;
	s29 =	sshrl.u32 s31, $0x2;
	_ =	swait.ge [sflag:s28], $0x500  }
0xde: {  	[sflag:s28] =	ssyncset.done $0x0  }
0xdf: {  	s0 =	sadd.s32 $0x960, s29;
	[sflag:s28] =	ssyncadd.s32 $0xFFFFFB00  }
0xe0: {  	[spmem:s3] =	stream.indirect.scatter.add.f32 [tilespmem:s0], [sflag:$0x3], $0x28, s26, s19, $0xb8;
	[tilespmem:$0x1FD60] =	vst v63  }
0xe1: {  	_ =	swait.ge [sflag:s16], $0x500  }
0xe2: {  	[sflag:s16] =	ssyncset.done $0x0  }
0xe3: {  	[sflag:s16] =	ssyncadd.s32 $0xFFFFFB00  }
0xe4: {  	s23 =	sadd.s32 $0x1, s23;
	_ =	swait.ge [sflag:s20], $0x500  }
0xe5: {  	p0 =	sne.s32 s23, $0x7D;
	[sflag:s20] =	ssyncset.done $0x0  }
.Ltmp6:
0xe6: {  	[sflag:s20] =	ssyncadd.s32 $0xFFFFFB00;
	(pc) =	sbr.rel @p0 .LBB2_10-.Ltmp6, $4  }
0xe7: {  	[spmem:s3] =	stream.indirect.scatter.add.f32 [tilespmem:s18], [sflag:$0x3], $0x28, s21, s19, $0xb8;
	[tilespmem:$0x1FD60] =	vst v63  }
0xe8: {  	_ =	swait.ge [sflag:s16], $0x500  }
0xe9: {  	[sflag:s16] =	ssyncset.done $0x0  }
0xea: {  	[sflag:s16] =	ssyncadd.s32 $0xFFFFFB00  }
0xeb: {  	s0 =	sadd.s32 $0x0, s5  }
0xec: {  	p0 =	sgt.u32 s0, $0x270  }
0xed: {  	[bflag:$0x0] =	sbarrier.arrive $0xFFFF;
	s0 =	sshrl.u32 @!p0 s13, $0x3;
	s28 =	simm.s32 @!p0 $0x3  }
0xee: {  	[hbm:s14], [sflag:s9] =	dma.local @!p0 [spmem:s0], $0x190  }
0xef: {  	s24 =	simm.s32 $0x10;
	s26 =	simm.s32 $0x20;
	_ =	swait.ge @!p0 [sflag:s28], $0x190  }
0xf0: {  	s23 =	sadd.s32 $0x1900, s14;
	s25 =	sadd.s32 $0xC800, s13;
	[sflag:s28] =	ssyncset.done @!p0 $0x0  }
.LBB2_16:
0xf1: {  	s0 =	sadd.s32 s24, s5;
	s24 =	smov.u32 s26;
	s26 =	sadd.s32 $0x10, s26  }
0xf2: {  	[sflag:s28] =	ssyncadd.s32 @!p0 $0xFFFFFE70;
	p1 =	sne.s32 s26, $0x280  }
.Ltmp7:
0xf3: {  	p0 =	sgt.u32 s0, $0x270;
	(pc) =	sbr.rel @p1 .LBB2_16-.Ltmp7, $4  }
0xf4: {  	s0 =	sshrl.u32 @!p0 s25, $0x3;
	s28 =	simm.s32 @!p0 $0x3  }
0xf5: {  	[hbm:s23], [sflag:s9] =	dma.local @!p0 [spmem:s0], $0x190  }
0xf6: {  	_ =	swait.ge @!p0 [sflag:s28], $0x190  }
0xf7: {  	s25 =	sadd.s32 $0xC800, s25;
	s23 =	sadd.s32 $0x1900, s23;
	[sflag:s28] =	ssyncset.done @!p0 $0x0  }
0xf8: {  	s0 =	sadd.s32 s24, s5  }
0xf9: {  	[sflag:s28] =	ssyncadd.s32 @!p0 $0xFFFFFE70;
	s22 =	sadd.s32 $0x1, s22;
	p1 =	sgt.u32 s0, $0x270  }
0xfa: {  	p0 =	sne.s32 s22, s11;
	s0 =	sshrl.u32 @!p1 s25, $0x3;
	s24 =	simm.s32 @!p1 $0x3  }
0xfb: {  	[hbm:s23], [sflag:s9] =	dma.local @!p1 [spmem:s0], $0x190  }
.Ltmp8:
0xfc: {  	_ =	swait.ge @!p1 [sflag:s24], $0x190;
	(pc) =	sbr.rel @p0 .LBB2_1-.Ltmp8, $3  }
0xfd: {  	[sflag:s24] =	ssyncset.done @!p1 $0x0  }
0xfe: {  	[sflag:s24] =	ssyncadd.s32 @!p1 $0xFFFFFE70  }
0xff: {  	[bflag:$0x0] =	sbarrier.arrive $0xFFFF;
	_ =	sdelay $0x1  }
0x100: {  	_ =	sfence.sel $0x180000  }
0x101: {  	[bflag:$0x0] =	sbarrier.arrive $0xFFFF  }
0x102: {  	_ =	strace $0x90000047  }
0x103: {  	[bflag:$0x2] =	sbarrier.arrive $0xFFFF  }
0x104: {  	p0 =	sne.s32 s5, $0x0;
	s0 =	rddreg [dreg:$0x4]  }
0x105: {  	s0 =	sadd.s32 @!p0 $0x100000, s0  }
0x106: {  	[sflag:s0] =	ssyncadd.tile.s32 @!p0 $0x1;
	_ =	shalt  }
.Lfunc_end2:
_tile_overlayer_lowered:
.L_overlay_start_2:
0x107: {  	(tag) =	ssettag $0x2  }
0x108: {  	s0 =	rddreg [dreg:$0x0];
	s2 =	stileid.u32  }
0x109: {  	s1 =	rddreg [dreg:$0x1];
	p0 =	sne.s32 s2, $0x0  }
0x10a: {  	s3 =	rddreg [dreg:$0x2];
	[bflag:$0x3] =	sbarrier.arrive $0xFFFF;
	s2 =	simm.s32 @!p0 $0x1C03  }
0x10b: {  	[timem:s3], [sflag:s2] =	dma.local @!p0 [hbm:s0], s1  }
0x10c: {  	s0 =	simm.s32 @!p0 $0x3  }
0x10d: {  	_ =	swait.ge @!p0 [sflag:s0], s1  }
0x10e: {  	s1 =	ssub.s32 @!p0 $0x0, s1;
	[sflag:s0] =	ssyncset.done @!p0 $0x0  }
0x10f: {  	[sflag:s0] =	ssyncadd.s32 @!p0 s1  }
0x110: {  	[bflag:$0x3] =	sbarrier.arrive $0xFFFF  }
0x111: {  	_ =	shalt  }

</sc_bundles>
